<compile_context>
chip_gen: v7x
topology: tpu7x:2x2x1
jax: 0.10.2.dev20260603
libtpu: 0.0.44.dev20260713+nightly
codegen_flags: <defaults>
</compile_context>

<pallas_src>
import functools

import jax
import jax.numpy as jnp
from jax import lax
from jax.experimental import pallas as pl
from jax.experimental.pallas import tpu as pltpu
from jax.experimental.pallas import tpu_sc as plsc

N_NODES = 10000
N_EDGES = 320000
NODE_DIM = 128
EDGE_DIM = 128
N_RADIAL = 16
TABLE_ROWS = 100
CLS = 104

_L = 16



def _sc_gather_body(nw, nb, be, u0, z_hbm, ii_hbm, ij_hbm, zi_hbm, zj_hbm,
                    z_sh, ii_v, ij_v, oi_v, oj_v, sem):
    s = lax.axis_index("s")
    wid = s * (nw // 16) + lax.axis_index("c")

    @pl.when(s == 0)
    def _():
        pltpu.sync_copy(z_hbm, z_sh)

    plsc.subcore_barrier()
    for k in range((nb + nw - 1) // nw):
        u = wid + k * nw

        @pl.when(u < nb)
        def _():
            base = (u0 + u) * be
            pltpu.sync_copy(ii_hbm.at[pl.ds(base, be)], ii_v)
            pltpu.sync_copy(ij_hbm.at[pl.ds(base, be)], ij_v)
            ci = pltpu.async_copy(z_sh.at[ii_v], oi_v, sem)
            cj = pltpu.async_copy(z_sh.at[ij_v], oj_v, sem)
            ci.wait()
            cj.wait()
            pltpu.sync_copy(oi_v, zi_hbm.at[u, 0])
            pltpu.sync_copy(oj_v, zj_hbm.at[u, 0])


def _sc_gather(z, idx_i, idx_j, nb, be, u0):
    info = plsc.get_sparse_core_info()
    nw = info.num_cores * info.num_subcores
    mesh = plsc.VectorSubcoreMesh(core_axis_name="c", subcore_axis_name="s")
    f = pl.kernel(
        functools.partial(_sc_gather_body, nw, nb, be, u0),
        mesh=mesh,
        out_type=[
            jax.ShapeDtypeStruct((nb, 1, be), jnp.int32),
            jax.ShapeDtypeStruct((nb, 1, be), jnp.int32),
        ],
        scratch_types=[
            pltpu.VMEM_SHARED((N_NODES,), jnp.int32),
            pltpu.VMEM((be,), jnp.int32),
            pltpu.VMEM((be,), jnp.int32),
            pltpu.VMEM((be,), jnp.int32),
            pltpu.VMEM((be,), jnp.int32),
            pltpu.SemaphoreType.DMA,
        ],
    )
    return f(z, idx_i, idx_j)



_BE = 6400
_NB = N_EDGES // _BE


def _main_kernel(zj_ref, zi_ref, rbf_ref, ntp_ref, we_ref, wr_ref, b_ref,
                 out_ref, t_s):
    @pl.when(pl.program_id(0) == 0)
    def _fold_weights():
        ntp = ntp_ref[:]
        t1 = jnp.dot(ntp, we_ref[0:NODE_DIM, :],
                     preferred_element_type=jnp.float32)[0:CLS, :]
        t2 = jnp.dot(ntp, we_ref[NODE_DIM:2 * NODE_DIM, :],
                     preferred_element_type=jnp.float32)[0:CLS, :]
        wc = jnp.dot(wr_ref[:], we_ref[2 * NODE_DIM:, :],
                     preferred_element_type=jnp.float32)
        t_s[:] = jnp.concatenate([t1, t2, wc], axis=0).astype(jnp.bfloat16)

    zj = zj_ref[0, 0, :]
    zi = zi_ref[0, 0, :]
    iota = lax.broadcasted_iota(jnp.int32, (CLS, _BE), 0)
    ohj = (iota == zj).astype(jnp.bfloat16)
    ohi = (iota == zi).astype(jnp.bfloat16)
    a = jnp.concatenate([ohj, ohi, rbf_ref[:].astype(jnp.bfloat16)], axis=0)
    dn = (((0,), (0,)), ((), ()))
    x = lax.dot_general(a, t_s[:], dn, preferred_element_type=jnp.float32)
    x = x + b_ref[:]
    out_ref[:] = x * jax.nn.sigmoid(x)


def _main_half(zj3, zi3, rbf_t, ntp, W_edge, W_rbf, b_edge, nb, blk0, prev):
    def body(zj_ref, zi_ref, rbf_ref, ntp_ref, we_ref, wr_ref, b_ref,
             *rest):
        if prev is not None:
            rest = rest[1:]
        out_ref, t_s = rest
        _main_kernel(zj_ref, zi_ref, rbf_ref, ntp_ref, we_ref, wr_ref, b_ref,
                     out_ref, t_s)

    in_specs = [
        pl.BlockSpec((1, 1, _BE), lambda e: (e, 0, 0)),
        pl.BlockSpec((1, 1, _BE), lambda e: (e, 0, 0)),
        pl.BlockSpec((N_RADIAL, _BE), lambda e: (0, e + blk0)),
        pl.BlockSpec((NODE_DIM, NODE_DIM), lambda e: (0, 0)),
        pl.BlockSpec((2 * NODE_DIM + EDGE_DIM, EDGE_DIM), lambda e: (0, 0)),
        pl.BlockSpec((N_RADIAL, EDGE_DIM), lambda e: (0, 0)),
        pl.BlockSpec((EDGE_DIM,), lambda e: (0,)),
    ]
    args = [zj3, zi3, rbf_t, ntp, W_edge, W_rbf, b_edge]
    kwargs = {}
    if prev is not None:
        in_specs.append(pl.BlockSpec(memory_space=pl.ANY))
        args.append(prev)
        kwargs["input_output_aliases"] = {7: 0}
    return pl.pallas_call(
        body,
        grid=(nb,),
        in_specs=in_specs,
        out_specs=pl.BlockSpec((_BE, EDGE_DIM), lambda e: (e + blk0, 0)),
        out_shape=jax.ShapeDtypeStruct((N_EDGES, EDGE_DIM), jnp.float32),
        scratch_shapes=[
            pltpu.VMEM((2 * CLS + N_RADIAL, EDGE_DIM), jnp.bfloat16),
        ],
        **kwargs,
    )(*args)


def kernel(z, rbf, idx_i, idx_j, node_table, W_rbf, W_edge, b_edge):
    z = z.astype(jnp.int32)
    idx_i = idx_i.astype(jnp.int32)
    idx_j = idx_j.astype(jnp.int32)
    ntp = jnp.pad(node_table, ((0, NODE_DIM - TABLE_ROWS), (0, 0)))
    rbf_t = rbf.T
    nb1 = _NB // 2
    nb2 = _NB - nb1
    zi_a, zj_a = _sc_gather(z, idx_i, idx_j, nb1, _BE, 0)
    zi_b, zj_b = _sc_gather(z, idx_i, idx_j, nb2, _BE, nb1)
    out1 = _main_half(zj_a, zi_a, rbf_t, ntp, W_edge, W_rbf, b_edge,
                      nb1, 0, None)
    return _main_half(zj_b, zi_b, rbf_t, ntp, W_edge, W_rbf, b_edge,
                      nb2, nb1, out1)

# --- scband reference (transcript-rebuilt; emitter-appended) ---
"""Pipeline reference for scband-edge-embed-32847909879961 (READ-ONLY COPY).

The authoritative reference and input builder live on the scoring server;
editing this copy changes nothing except your own understanding.
"""

import jax, jax.numpy as jnp
import numpy as np

N_NODES = 10000
N_EDGES = 320000
NODE_DIM = 128
EDGE_DIM = 128
N_RADIAL = 16
MAX_Z = 100


def setup_inputs(seed: int = 0) -> dict:
    key = jax.random.key(seed)
    ks = jax.random.split(key, 8)
    z = jax.random.randint(ks[0], (N_NODES,), 0, MAX_Z)
    rbf = jax.random.normal(ks[1], (N_EDGES, N_RADIAL), dtype=jnp.float32)
    idx_i = jax.random.randint(ks[2], (N_EDGES,), 0, N_NODES)
    idx_j = jax.random.randint(ks[3], (N_EDGES,), 0, N_NODES)
    # learned parameters
    node_table = jax.random.normal(ks[4], (MAX_Z, NODE_DIM), dtype=jnp.float32) * 0.02
    W_rbf = jax.random.normal(ks[5], (N_RADIAL, EDGE_DIM), dtype=jnp.float32) * (1.0 / np.sqrt(N_RADIAL))
    W_edge = jax.random.normal(ks[6], (2 * NODE_DIM + EDGE_DIM, EDGE_DIM), dtype=jnp.float32) * (1.0 / np.sqrt(2 * NODE_DIM + EDGE_DIM))
    b_edge = jnp.zeros((EDGE_DIM,), dtype=jnp.float32)
    return {
        "z": z,
        "rbf": rbf,
        "idx_i": idx_i,
        "idx_j": idx_j,
        "node_table": node_table,
        "W_rbf": W_rbf,
        "W_edge": W_edge,
        "b_edge": b_edge,
    }


def reference(z, rbf, idx_i, idx_j, node_table, W_rbf, W_edge, b_edge):
    # node_embed: atomic number -> node embedding (embedding lookup)
    z_emb = jnp.take(node_table, z, axis=0)                 # (N_NODES, NODE_DIM)
    # rbf_lin: Dense without bias
    rbf_proj = rbf @ W_rbf                                   # (N_EDGES, EDGE_DIM)
    # gather endpoint node embeddings per edge and concat
    h = jnp.concatenate([z_emb[idx_j], z_emb[idx_i], rbf_proj], axis=-1)  # (N_EDGES, 2*NODE_DIM+EDGE_DIM)
    # edge_embed: Dense(bias=True) followed by swish activation
    out = h @ W_edge + b_edge
    out = jax.nn.silu(out)                                   # swish
    return out

if __name__ == "__main__":
    import jax
    _d = setup_inputs()
    print(jax.jit(kernel)(*tuple(_d.values())))

</pallas_src>

<mosaic_0001>
#map = affine_map<(d0, d1) -> (0)>
#map1 = affine_map<(d0, d1) -> (0, 0, 0)>
module attributes {stable_mosaic.version = 14 : i64} {
  func.func @_sc_gather_body(%arg0: i32, %arg1: i32, %arg2: memref<10000xi32, #tpu.memory_space<hbm>>, %arg3: memref<320000xi32, #tpu.memory_space<hbm>>, %arg4: memref<320000xi32, #tpu.memory_space<hbm>>, %arg5: memref<25x1x6400xi32, #tpu.memory_space<hbm>>, %arg6: memref<25x1x6400xi32, #tpu.memory_space<hbm>>, %arg7: memref<10000xi32, #tpu.memory_space<vmem_shared>>, %arg8: memref<6400xi32, #tpu.memory_space<vmem>>, %arg9: memref<6400xi32, #tpu.memory_space<vmem>>, %arg10: memref<6400xi32, #tpu.memory_space<vmem>>, %arg11: memref<6400xi32, #tpu.memory_space<vmem>>, %arg12: memref<!tpu.dma_semaphore, #tpu.memory_space<semaphore_mem>>) attributes {dimension_semantics = [#tpu.dimension_semantics<core_parallel>, #tpu.dimension_semantics<subcore_parallel>], iteration_bounds = array<i64: 2, 16>, scalar_prefetch = 0 : i64, scratch_operands = 6 : i64, tpu.core_type = #tpu.core_type<sc_vector_subcore>, window_params = [{transform_indices = #map}, {transform_indices = #map}, {transform_indices = #map}, {transform_indices = #map1}, {transform_indices = #map1}]} {
    %mul3A = arith.constant 2 : i32
    %mul3A_0 = arith.muli %arg1, %mul3A : i32
    %add3A = arith.addi %mul3A_0, %arg0 : i32
    %eq3A = arith.constant 0 : i32
    %eq3A_1 = arith.cmpi eq, %arg1, %eq3A : i32
    %convert_element_type3A = arith.extui %eq3A_1 : i1 to i32
    %cond3A = arith.constant 0 : i32
    %cond3A_2 = arith.cmpi ne, %convert_element_type3A, %cond3A : i32
    scf.if %cond3A_2 {
      "tpu.region"() ({
        %run_scoped3A = tpu.sem_alloc : memref<!tpu.dma_semaphore, #tpu.memory_space<semaphore_mem>>
        tpu.enqueue_dma source(%arg2 : memref<10000xi32, #tpu.memory_space<hbm>>) target(%arg7 : memref<10000xi32, #tpu.memory_space<vmem_shared>>) target_semaphore(%run_scoped3A : memref<!tpu.dma_semaphore, #tpu.memory_space<semaphore_mem>>)
        tpu.wait_dma2 semaphore(%run_scoped3A : memref<!tpu.dma_semaphore, #tpu.memory_space<semaphore_mem>>) src(%arg2 : memref<10000xi32, #tpu.memory_space<hbm>>) dst(%arg7 : memref<10000xi32, #tpu.memory_space<vmem_shared>>)
        tpu.yield
      }) : () -> ()
    } else {
    }
    %barrier3A = arith.constant 0 : index
    tpu.barrier barrier_id(%barrier3A)
    %add3A_3 = arith.constant 0 : i32
    %add3A_4 = arith.addi %add3A, %add3A_3 : i32
    %lt3A = arith.constant 25 : i32
    %lt3A_5 = arith.cmpi slt, %add3A_4, %lt3A : i32
    %convert_element_type3A_6 = arith.extui %lt3A_5 : i1 to i32
    %cond3A_7 = arith.constant 0 : i32
    %cond3A_8 = arith.cmpi ne, %convert_element_type3A_6, %cond3A_7 : i32
    scf.if %cond3A_8 {
      %add3A_9 = arith.constant 0 : i32
      %add3A_10 = arith.addi %add3A_9, %add3A_4 : i32
      %mul3A_11 = arith.constant 6400 : i32
      %mul3A_12 = arith.muli %add3A_10, %mul3A_11 : i32
      "tpu.region"() ({
        %run_scoped3A_20 = tpu.sem_alloc : memref<!tpu.dma_semaphore, #tpu.memory_space<semaphore_mem>>
        %dma_start3A_21 = tpu.memref_slice %arg3[%mul3A_12] : memref<320000xi32, #tpu.memory_space<hbm>> -> memref<6400xi32, #tpu.memory_space<hbm>>
        %dma_start3A_22 = tpu.memref_slice %arg3[%mul3A_12] : memref<320000xi32, #tpu.memory_space<hbm>> -> memref<6400xi32, #tpu.memory_space<hbm>>
        tpu.enqueue_dma source(%dma_start3A_22 : memref<6400xi32, #tpu.memory_space<hbm>>) target(%arg8 : memref<6400xi32, #tpu.memory_space<vmem>>) target_semaphore(%run_scoped3A_20 : memref<!tpu.dma_semaphore, #tpu.memory_space<semaphore_mem>>)
        %dma_wait3A_23 = tpu.memref_slice %arg3[%mul3A_12] : memref<320000xi32, #tpu.memory_space<hbm>> -> memref<6400xi32, #tpu.memory_space<hbm>>
        %dma_wait3A_24 = tpu.memref_slice %arg3[%mul3A_12] : memref<320000xi32, #tpu.memory_space<hbm>> -> memref<6400xi32, #tpu.memory_space<hbm>>
        tpu.wait_dma2 semaphore(%run_scoped3A_20 : memref<!tpu.dma_semaphore, #tpu.memory_space<semaphore_mem>>) src(%dma_wait3A_24 : memref<6400xi32, #tpu.memory_space<hbm>>) dst(%arg8 : memref<6400xi32, #tpu.memory_space<vmem>>)
        tpu.yield
      }) : () -> ()
      "tpu.region"() ({
        %run_scoped3A_20 = tpu.sem_alloc : memref<!tpu.dma_semaphore, #tpu.memory_space<semaphore_mem>>
        %dma_start3A_21 = tpu.memref_slice %arg4[%mul3A_12] : memref<320000xi32, #tpu.memory_space<hbm>> -> memref<6400xi32, #tpu.memory_space<hbm>>
        %dma_start3A_22 = tpu.memref_slice %arg4[%mul3A_12] : memref<320000xi32, #tpu.memory_space<hbm>> -> memref<6400xi32, #tpu.memory_space<hbm>>
        tpu.enqueue_dma source(%dma_start3A_22 : memref<6400xi32, #tpu.memory_space<hbm>>) target(%arg9 : memref<6400xi32, #tpu.memory_space<vmem>>) target_semaphore(%run_scoped3A_20 : memref<!tpu.dma_semaphore, #tpu.memory_space<semaphore_mem>>)
        %dma_wait3A_23 = tpu.memref_slice %arg4[%mul3A_12] : memref<320000xi32, #tpu.memory_space<hbm>> -> memref<6400xi32, #tpu.memory_space<hbm>>
        %dma_wait3A_24 = tpu.memref_slice %arg4[%mul3A_12] : memref<320000xi32, #tpu.memory_space<hbm>> -> memref<6400xi32, #tpu.memory_space<hbm>>
        tpu.wait_dma2 semaphore(%run_scoped3A_20 : memref<!tpu.dma_semaphore, #tpu.memory_space<semaphore_mem>>) src(%dma_wait3A_24 : memref<6400xi32, #tpu.memory_space<hbm>>) dst(%arg9 : memref<6400xi32, #tpu.memory_space<vmem>>)
        tpu.yield
      }) : () -> ()
      %dma_start3A = arith.constant 0 : i32
      %dma_start3A_13 = tpu.memref_slice %arg7[%dma_start3A] : memref<10000xi32, #tpu.memory_space<vmem_shared>> -> memref<10000xi32, #tpu.memory_space<vmem_shared>>
      tpu.enqueue_indirect_dma source(%dma_start3A_13 : memref<10000xi32, #tpu.memory_space<vmem_shared>>) target(%arg10 : memref<6400xi32, #tpu.memory_space<vmem>>) offsets(%arg8 : memref<6400xi32, #tpu.memory_space<vmem>>) semaphore(%arg12 : memref<!tpu.dma_semaphore, #tpu.memory_space<semaphore_mem>>)
      %dma_start3A_14 = arith.constant 0 : i32
      %dma_start3A_15 = tpu.memref_slice %arg7[%dma_start3A_14] : memref<10000xi32, #tpu.memory_space<vmem_shared>> -> memref<10000xi32, #tpu.memory_space<vmem_shared>>
      tpu.enqueue_indirect_dma source(%dma_start3A_15 : memref<10000xi32, #tpu.memory_space<vmem_shared>>) target(%arg11 : memref<6400xi32, #tpu.memory_space<vmem>>) offsets(%arg9 : memref<6400xi32, #tpu.memory_space<vmem>>) semaphore(%arg12 : memref<!tpu.dma_semaphore, #tpu.memory_space<semaphore_mem>>)
      %dma_wait3A = arith.constant 0 : i32
      %dma_wait3A_16 = tpu.memref_slice %arg7[%dma_wait3A] : memref<10000xi32, #tpu.memory_space<vmem_shared>> -> memref<10000xi32, #tpu.memory_space<vmem_shared>>
      tpu.wait_indirect_dma semaphore(%arg12 : memref<!tpu.dma_semaphore, #tpu.memory_space<semaphore_mem>>) src(%dma_wait3A_16 : memref<10000xi32, #tpu.memory_space<vmem_shared>>) dst(%arg10 : memref<6400xi32, #tpu.memory_space<vmem>>)
      %dma_wait3A_17 = arith.constant 0 : i32
      %dma_wait3A_18 = tpu.memref_slice %arg7[%dma_wait3A_17] : memref<10000xi32, #tpu.memory_space<vmem_shared>> -> memref<10000xi32, #tpu.memory_space<vmem_shared>>
      tpu.wait_indirect_dma semaphore(%arg12 : memref<!tpu.dma_semaphore, #tpu.memory_space<semaphore_mem>>) src(%dma_wait3A_18 : memref<10000xi32, #tpu.memory_space<vmem_shared>>) dst(%arg11 : memref<6400xi32, #tpu.memory_space<vmem>>)
      %run_scoped3A = arith.constant 0 : i32
      "tpu.region"() ({
        %run_scoped3A_20 = tpu.sem_alloc : memref<!tpu.dma_semaphore, #tpu.memory_space<semaphore_mem>>
        %dma_start3A_21 = arith.constant 0 : i32
        %dma_start3A_22 = tpu.memref_slice %arg5[%add3A_4, %run_scoped3A, %dma_start3A_21] : memref<25x1x6400xi32, #tpu.memory_space<hbm>> -> memref<1x1x6400xi32, #tpu.memory_space<hbm>>
        %dma_start3A_23 = tpu.memref_squeeze %dma_start3A_22 : memref<1x1x6400xi32, #tpu.memory_space<hbm>> -> memref<6400xi32, #tpu.memory_space<hbm>>
        %dma_start3A_24 = arith.constant 0 : i32
        %dma_start3A_25 = tpu.memref_slice %arg5[%add3A_4, %run_scoped3A, %dma_start3A_24] : memref<25x1x6400xi32, #tpu.memory_space<hbm>> -> memref<1x1x6400xi32, #tpu.memory_space<hbm>>
        %dma_start3A_26 = tpu.memref_squeeze %dma_start3A_25 : memref<1x1x6400xi32, #tpu.memory_space<hbm>> -> memref<6400xi32, #tpu.memory_space<hbm>>
        tpu.enqueue_dma source(%arg10 : memref<6400xi32, #tpu.memory_space<vmem>>) target(%dma_start3A_26 : memref<6400xi32, #tpu.memory_space<hbm>>) target_semaphore(%run_scoped3A_20 : memref<!tpu.dma_semaphore, #tpu.memory_space<semaphore_mem>>)
        %dma_wait3A_27 = arith.constant 0 : i32
        %dma_wait3A_28 = tpu.memref_slice %arg5[%add3A_4, %run_scoped3A, %dma_wait3A_27] : memref<25x1x6400xi32, #tpu.memory_space<hbm>> -> memref<1x1x6400xi32, #tpu.memory_space<hbm>>
        %dma_wait3A_29 = tpu.memref_squeeze %dma_wait3A_28 : memref<1x1x6400xi32, #tpu.memory_space<hbm>> -> memref<6400xi32, #tpu.memory_space<hbm>>
        %dma_wait3A_30 = arith.constant 0 : i32
        %dma_wait3A_31 = tpu.memref_slice %arg5[%add3A_4, %run_scoped3A, %dma_wait3A_30] : memref<25x1x6400xi32, #tpu.memory_space<hbm>> -> memref<1x1x6400xi32, #tpu.memory_space<hbm>>
        %dma_wait3A_32 = tpu.memref_squeeze %dma_wait3A_31 : memref<1x1x6400xi32, #tpu.memory_space<hbm>> -> memref<6400xi32, #tpu.memory_space<hbm>>
        tpu.wait_dma2 semaphore(%run_scoped3A_20 : memref<!tpu.dma_semaphore, #tpu.memory_space<semaphore_mem>>) src(%arg10 : memref<6400xi32, #tpu.memory_space<vmem>>) dst(%dma_wait3A_32 : memref<6400xi32, #tpu.memory_space<hbm>>)
        tpu.yield
      }) : () -> ()
      %run_scoped3A_19 = arith.constant 0 : i32
      "tpu.region"() ({
        %run_scoped3A_20 = tpu.sem_alloc : memref<!tpu.dma_semaphore, #tpu.memory_space<semaphore_mem>>
        %dma_start3A_21 = arith.constant 0 : i32
        %dma_start3A_22 = tpu.memref_slice %arg6[%add3A_4, %run_scoped3A_19, %dma_start3A_21] : memref<25x1x6400xi32, #tpu.memory_space<hbm>> -> memref<1x1x6400xi32, #tpu.memory_space<hbm>>
        %dma_start3A_23 = tpu.memref_squeeze %dma_start3A_22 : memref<1x1x6400xi32, #tpu.memory_space<hbm>> -> memref<6400xi32, #tpu.memory_space<hbm>>
        %dma_start3A_24 = arith.constant 0 : i32
        %dma_start3A_25 = tpu.memref_slice %arg6[%add3A_4, %run_scoped3A_19, %dma_start3A_24] : memref<25x1x6400xi32, #tpu.memory_space<hbm>> -> memref<1x1x6400xi32, #tpu.memory_space<hbm>>
        %dma_start3A_26 = tpu.memref_squeeze %dma_start3A_25 : memref<1x1x6400xi32, #tpu.memory_space<hbm>> -> memref<6400xi32, #tpu.memory_space<hbm>>
        tpu.enqueue_dma source(%arg11 : memref<6400xi32, #tpu.memory_space<vmem>>) target(%dma_start3A_26 : memref<6400xi32, #tpu.memory_space<hbm>>) target_semaphore(%run_scoped3A_20 : memref<!tpu.dma_semaphore, #tpu.memory_space<semaphore_mem>>)
        %dma_wait3A_27 = arith.constant 0 : i32
        %dma_wait3A_28 = tpu.memref_slice %arg6[%add3A_4, %run_scoped3A_19, %dma_wait3A_27] : memref<25x1x6400xi32, #tpu.memory_space<hbm>> -> memref<1x1x6400xi32, #tpu.memory_space<hbm>>
        %dma_wait3A_29 = tpu.memref_squeeze %dma_wait3A_28 : memref<1x1x6400xi32, #tpu.memory_space<hbm>> -> memref<6400xi32, #tpu.memory_space<hbm>>
        %dma_wait3A_30 = arith.constant 0 : i32
        %dma_wait3A_31 = tpu.memref_slice %arg6[%add3A_4, %run_scoped3A_19, %dma_wait3A_30] : memref<25x1x6400xi32, #tpu.memory_space<hbm>> -> memref<1x1x6400xi32, #tpu.memory_space<hbm>>
        %dma_wait3A_32 = tpu.memref_squeeze %dma_wait3A_31 : memref<1x1x6400xi32, #tpu.memory_space<hbm>> -> memref<6400xi32, #tpu.memory_space<hbm>>
        tpu.wait_dma2 semaphore(%run_scoped3A_20 : memref<!tpu.dma_semaphore, #tpu.memory_space<semaphore_mem>>) src(%arg11 : memref<6400xi32, #tpu.memory_space<vmem>>) dst(%dma_wait3A_32 : memref<6400xi32, #tpu.memory_space<hbm>>)
        tpu.yield
      }) : () -> ()
    } else {
    }
    return
  }
}

#map = affine_map<(d0, d1) -> (0)>
#map1 = affine_map<(d0, d1) -> (0, 0, 0)>
module attributes {stable_mosaic.version = 14 : i64} {
  func.func @_sc_gather_body(%arg0: i32, %arg1: i32, %arg2: memref<10000xi32, #tpu.memory_space<hbm>>, %arg3: memref<320000xi32, #tpu.memory_space<hbm>>, %arg4: memref<320000xi32, #tpu.memory_space<hbm>>, %arg5: memref<25x1x6400xi32, #tpu.memory_space<hbm>>, %arg6: memref<25x1x6400xi32, #tpu.memory_space<hbm>>, %arg7: memref<10000xi32, #tpu.memory_space<vmem_shared>>, %arg8: memref<6400xi32, #tpu.memory_space<vmem>>, %arg9: memref<6400xi32, #tpu.memory_space<vmem>>, %arg10: memref<6400xi32, #tpu.memory_space<vmem>>, %arg11: memref<6400xi32, #tpu.memory_space<vmem>>, %arg12: memref<!tpu.dma_semaphore, #tpu.memory_space<semaphore_mem>>) attributes {dimension_semantics = [#tpu.dimension_semantics<core_parallel>, #tpu.dimension_semantics<subcore_parallel>], iteration_bounds = array<i64: 2, 16>, scalar_prefetch = 0 : i64, scratch_operands = 6 : i64, tpu.core_type = #tpu.core_type<sc_vector_subcore>, window_params = [{transform_indices = #map}, {transform_indices = #map}, {transform_indices = #map}, {transform_indices = #map1}, {transform_indices = #map1}]} {
    %mul3A = arith.constant 2 : i32
    %mul3A_0 = arith.muli %arg1, %mul3A : i32
    %add3A = arith.addi %mul3A_0, %arg0 : i32
    %eq3A = arith.constant 0 : i32
    %eq3A_1 = arith.cmpi eq, %arg1, %eq3A : i32
    %convert_element_type3A = arith.extui %eq3A_1 : i1 to i32
    %cond3A = arith.constant 0 : i32
    %cond3A_2 = arith.cmpi ne, %convert_element_type3A, %cond3A : i32
    scf.if %cond3A_2 {
      "tpu.region"() ({
        %run_scoped3A = tpu.sem_alloc : memref<!tpu.dma_semaphore, #tpu.memory_space<semaphore_mem>>
        tpu.enqueue_dma source(%arg2 : memref<10000xi32, #tpu.memory_space<hbm>>) target(%arg7 : memref<10000xi32, #tpu.memory_space<vmem_shared>>) target_semaphore(%run_scoped3A : memref<!tpu.dma_semaphore, #tpu.memory_space<semaphore_mem>>)
        tpu.wait_dma2 semaphore(%run_scoped3A : memref<!tpu.dma_semaphore, #tpu.memory_space<semaphore_mem>>) src(%arg2 : memref<10000xi32, #tpu.memory_space<hbm>>) dst(%arg7 : memref<10000xi32, #tpu.memory_space<vmem_shared>>)
        tpu.yield
      }) : () -> ()
    } else {
    }
    %barrier3A = arith.constant 0 : index
    tpu.barrier barrier_id(%barrier3A)
    %add3A_3 = arith.constant 0 : i32
    %add3A_4 = arith.addi %add3A, %add3A_3 : i32
    %lt3A = arith.constant 25 : i32
    %lt3A_5 = arith.cmpi slt, %add3A_4, %lt3A : i32
    %convert_element_type3A_6 = arith.extui %lt3A_5 : i1 to i32
    %cond3A_7 = arith.constant 0 : i32
    %cond3A_8 = arith.cmpi ne, %convert_element_type3A_6, %cond3A_7 : i32
    scf.if %cond3A_8 {
      %add3A_9 = arith.constant 25 : i32
      %add3A_10 = arith.addi %add3A_9, %add3A_4 : i32
      %mul3A_11 = arith.constant 6400 : i32
      %mul3A_12 = arith.muli %add3A_10, %mul3A_11 : i32
      "tpu.region"() ({
        %run_scoped3A_20 = tpu.sem_alloc : memref<!tpu.dma_semaphore, #tpu.memory_space<semaphore_mem>>
        %dma_start3A_21 = tpu.memref_slice %arg3[%mul3A_12] : memref<320000xi32, #tpu.memory_space<hbm>> -> memref<6400xi32, #tpu.memory_space<hbm>>
        %dma_start3A_22 = tpu.memref_slice %arg3[%mul3A_12] : memref<320000xi32, #tpu.memory_space<hbm>> -> memref<6400xi32, #tpu.memory_space<hbm>>
        tpu.enqueue_dma source(%dma_start3A_22 : memref<6400xi32, #tpu.memory_space<hbm>>) target(%arg8 : memref<6400xi32, #tpu.memory_space<vmem>>) target_semaphore(%run_scoped3A_20 : memref<!tpu.dma_semaphore, #tpu.memory_space<semaphore_mem>>)
        %dma_wait3A_23 = tpu.memref_slice %arg3[%mul3A_12] : memref<320000xi32, #tpu.memory_space<hbm>> -> memref<6400xi32, #tpu.memory_space<hbm>>
        %dma_wait3A_24 = tpu.memref_slice %arg3[%mul3A_12] : memref<320000xi32, #tpu.memory_space<hbm>> -> memref<6400xi32, #tpu.memory_space<hbm>>
        tpu.wait_dma2 semaphore(%run_scoped3A_20 : memref<!tpu.dma_semaphore, #tpu.memory_space<semaphore_mem>>) src(%dma_wait3A_24 : memref<6400xi32, #tpu.memory_space<hbm>>) dst(%arg8 : memref<6400xi32, #tpu.memory_space<vmem>>)
        tpu.yield
      }) : () -> ()
      "tpu.region"() ({
        %run_scoped3A_20 = tpu.sem_alloc : memref<!tpu.dma_semaphore, #tpu.memory_space<semaphore_mem>>
        %dma_start3A_21 = tpu.memref_slice %arg4[%mul3A_12] : memref<320000xi32, #tpu.memory_space<hbm>> -> memref<6400xi32, #tpu.memory_space<hbm>>
        %dma_start3A_22 = tpu.memref_slice %arg4[%mul3A_12] : memref<320000xi32, #tpu.memory_space<hbm>> -> memref<6400xi32, #tpu.memory_space<hbm>>
        tpu.enqueue_dma source(%dma_start3A_22 : memref<6400xi32, #tpu.memory_space<hbm>>) target(%arg9 : memref<6400xi32, #tpu.memory_space<vmem>>) target_semaphore(%run_scoped3A_20 : memref<!tpu.dma_semaphore, #tpu.memory_space<semaphore_mem>>)
        %dma_wait3A_23 = tpu.memref_slice %arg4[%mul3A_12] : memref<320000xi32, #tpu.memory_space<hbm>> -> memref<6400xi32, #tpu.memory_space<hbm>>
        %dma_wait3A_24 = tpu.memref_slice %arg4[%mul3A_12] : memref<320000xi32, #tpu.memory_space<hbm>> -> memref<6400xi32, #tpu.memory_space<hbm>>
        tpu.wait_dma2 semaphore(%run_scoped3A_20 : memref<!tpu.dma_semaphore, #tpu.memory_space<semaphore_mem>>) src(%dma_wait3A_24 : memref<6400xi32, #tpu.memory_space<hbm>>) dst(%arg9 : memref<6400xi32, #tpu.memory_space<vmem>>)
        tpu.yield
      }) : () -> ()
      %dma_start3A = arith.constant 0 : i32
      %dma_start3A_13 = tpu.memref_slice %arg7[%dma_start3A] : memref<10000xi32, #tpu.memory_space<vmem_shared>> -> memref<10000xi32, #tpu.memory_space<vmem_shared>>
      tpu.enqueue_indirect_dma source(%dma_start3A_13 : memref<10000xi32, #tpu.memory_space<vmem_shared>>) target(%arg10 : memref<6400xi32, #tpu.memory_space<vmem>>) offsets(%arg8 : memref<6400xi32, #tpu.memory_space<vmem>>) semaphore(%arg12 : memref<!tpu.dma_semaphore, #tpu.memory_space<semaphore_mem>>)
      %dma_start3A_14 = arith.constant 0 : i32
      %dma_start3A_15 = tpu.memref_slice %arg7[%dma_start3A_14] : memref<10000xi32, #tpu.memory_space<vmem_shared>> -> memref<10000xi32, #tpu.memory_space<vmem_shared>>
      tpu.enqueue_indirect_dma source(%dma_start3A_15 : memref<10000xi32, #tpu.memory_space<vmem_shared>>) target(%arg11 : memref<6400xi32, #tpu.memory_space<vmem>>) offsets(%arg9 : memref<6400xi32, #tpu.memory_space<vmem>>) semaphore(%arg12 : memref<!tpu.dma_semaphore, #tpu.memory_space<semaphore_mem>>)
      %dma_wait3A = arith.constant 0 : i32
      %dma_wait3A_16 = tpu.memref_slice %arg7[%dma_wait3A] : memref<10000xi32, #tpu.memory_space<vmem_shared>> -> memref<10000xi32, #tpu.memory_space<vmem_shared>>
      tpu.wait_indirect_dma semaphore(%arg12 : memref<!tpu.dma_semaphore, #tpu.memory_space<semaphore_mem>>) src(%dma_wait3A_16 : memref<10000xi32, #tpu.memory_space<vmem_shared>>) dst(%arg10 : memref<6400xi32, #tpu.memory_space<vmem>>)
      %dma_wait3A_17 = arith.constant 0 : i32
      %dma_wait3A_18 = tpu.memref_slice %arg7[%dma_wait3A_17] : memref<10000xi32, #tpu.memory_space<vmem_shared>> -> memref<10000xi32, #tpu.memory_space<vmem_shared>>
      tpu.wait_indirect_dma semaphore(%arg12 : memref<!tpu.dma_semaphore, #tpu.memory_space<semaphore_mem>>) src(%dma_wait3A_18 : memref<10000xi32, #tpu.memory_space<vmem_shared>>) dst(%arg11 : memref<6400xi32, #tpu.memory_space<vmem>>)
      %run_scoped3A = arith.constant 0 : i32
      "tpu.region"() ({
        %run_scoped3A_20 = tpu.sem_alloc : memref<!tpu.dma_semaphore, #tpu.memory_space<semaphore_mem>>
        %dma_start3A_21 = arith.constant 0 : i32
        %dma_start3A_22 = tpu.memref_slice %arg5[%add3A_4, %run_scoped3A, %dma_start3A_21] : memref<25x1x6400xi32, #tpu.memory_space<hbm>> -> memref<1x1x6400xi32, #tpu.memory_space<hbm>>
        %dma_start3A_23 = tpu.memref_squeeze %dma_start3A_22 : memref<1x1x6400xi32, #tpu.memory_space<hbm>> -> memref<6400xi32, #tpu.memory_space<hbm>>
        %dma_start3A_24 = arith.constant 0 : i32
        %dma_start3A_25 = tpu.memref_slice %arg5[%add3A_4, %run_scoped3A, %dma_start3A_24] : memref<25x1x6400xi32, #tpu.memory_space<hbm>> -> memref<1x1x6400xi32, #tpu.memory_space<hbm>>
        %dma_start3A_26 = tpu.memref_squeeze %dma_start3A_25 : memref<1x1x6400xi32, #tpu.memory_space<hbm>> -> memref<6400xi32, #tpu.memory_space<hbm>>
        tpu.enqueue_dma source(%arg10 : memref<6400xi32, #tpu.memory_space<vmem>>) target(%dma_start3A_26 : memref<6400xi32, #tpu.memory_space<hbm>>) target_semaphore(%run_scoped3A_20 : memref<!tpu.dma_semaphore, #tpu.memory_space<semaphore_mem>>)
        %dma_wait3A_27 = arith.constant 0 : i32
        %dma_wait3A_28 = tpu.memref_slice %arg5[%add3A_4, %run_scoped3A, %dma_wait3A_27] : memref<25x1x6400xi32, #tpu.memory_space<hbm>> -> memref<1x1x6400xi32, #tpu.memory_space<hbm>>
        %dma_wait3A_29 = tpu.memref_squeeze %dma_wait3A_28 : memref<1x1x6400xi32, #tpu.memory_space<hbm>> -> memref<6400xi32, #tpu.memory_space<hbm>>
        %dma_wait3A_30 = arith.constant 0 : i32
        %dma_wait3A_31 = tpu.memref_slice %arg5[%add3A_4, %run_scoped3A, %dma_wait3A_30] : memref<25x1x6400xi32, #tpu.memory_space<hbm>> -> memref<1x1x6400xi32, #tpu.memory_space<hbm>>
        %dma_wait3A_32 = tpu.memref_squeeze %dma_wait3A_31 : memref<1x1x6400xi32, #tpu.memory_space<hbm>> -> memref<6400xi32, #tpu.memory_space<hbm>>
        tpu.wait_dma2 semaphore(%run_scoped3A_20 : memref<!tpu.dma_semaphore, #tpu.memory_space<semaphore_mem>>) src(%arg10 : memref<6400xi32, #tpu.memory_space<vmem>>) dst(%dma_wait3A_32 : memref<6400xi32, #tpu.memory_space<hbm>>)
        tpu.yield
      }) : () -> ()
      %run_scoped3A_19 = arith.constant 0 : i32
      "tpu.region"() ({
        %run_scoped3A_20 = tpu.sem_alloc : memref<!tpu.dma_semaphore, #tpu.memory_space<semaphore_mem>>
        %dma_start3A_21 = arith.constant 0 : i32
        %dma_start3A_22 = tpu.memref_slice %arg6[%add3A_4, %run_scoped3A_19, %dma_start3A_21] : memref<25x1x6400xi32, #tpu.memory_space<hbm>> -> memref<1x1x6400xi32, #tpu.memory_space<hbm>>
        %dma_start3A_23 = tpu.memref_squeeze %dma_start3A_22 : memref<1x1x6400xi32, #tpu.memory_space<hbm>> -> memref<6400xi32, #tpu.memory_space<hbm>>
        %dma_start3A_24 = arith.constant 0 : i32
        %dma_start3A_25 = tpu.memref_slice %arg6[%add3A_4, %run_scoped3A_19, %dma_start3A_24] : memref<25x1x6400xi32, #tpu.memory_space<hbm>> -> memref<1x1x6400xi32, #tpu.memory_space<hbm>>
        %dma_start3A_26 = tpu.memref_squeeze %dma_start3A_25 : memref<1x1x6400xi32, #tpu.memory_space<hbm>> -> memref<6400xi32, #tpu.memory_space<hbm>>
        tpu.enqueue_dma source(%arg11 : memref<6400xi32, #tpu.memory_space<vmem>>) target(%dma_start3A_26 : memref<6400xi32, #tpu.memory_space<hbm>>) target_semaphore(%run_scoped3A_20 : memref<!tpu.dma_semaphore, #tpu.memory_space<semaphore_mem>>)
        %dma_wait3A_27 = arith.constant 0 : i32
        %dma_wait3A_28 = tpu.memref_slice %arg6[%add3A_4, %run_scoped3A_19, %dma_wait3A_27] : memref<25x1x6400xi32, #tpu.memory_space<hbm>> -> memref<1x1x6400xi32, #tpu.memory_space<hbm>>
        %dma_wait3A_29 = tpu.memref_squeeze %dma_wait3A_28 : memref<1x1x6400xi32, #tpu.memory_space<hbm>> -> memref<6400xi32, #tpu.memory_space<hbm>>
        %dma_wait3A_30 = arith.constant 0 : i32
        %dma_wait3A_31 = tpu.memref_slice %arg6[%add3A_4, %run_scoped3A_19, %dma_wait3A_30] : memref<25x1x6400xi32, #tpu.memory_space<hbm>> -> memref<1x1x6400xi32, #tpu.memory_space<hbm>>
        %dma_wait3A_32 = tpu.memref_squeeze %dma_wait3A_31 : memref<1x1x6400xi32, #tpu.memory_space<hbm>> -> memref<6400xi32, #tpu.memory_space<hbm>>
        tpu.wait_dma2 semaphore(%run_scoped3A_20 : memref<!tpu.dma_semaphore, #tpu.memory_space<semaphore_mem>>) src(%arg11 : memref<6400xi32, #tpu.memory_space<vmem>>) dst(%dma_wait3A_32 : memref<6400xi32, #tpu.memory_space<hbm>>)
        tpu.yield
      }) : () -> ()
    } else {
    }
    return
  }
}

module attributes {stable_mosaic.version = 14 : i64} {
  func.func @body(%arg0: i32, %arg1: memref<1x1x6400xi32, #tpu.memory_space<vmem>>, %arg2: memref<1x1x6400xi32, #tpu.memory_space<vmem>>, %arg3: memref<16x6400xf32, #tpu.memory_space<vmem>>, %arg4: memref<128x128xf32, #tpu.memory_space<vmem>>, %arg5: memref<384x128xf32, #tpu.memory_space<vmem>>, %arg6: memref<16x128xf32, #tpu.memory_space<vmem>>, %arg7: memref<128xf32, #tpu.memory_space<vmem>>, %arg8: memref<320000x128xf32, #tpu.memory_space<any>>, %arg9: memref<6400x128xf32, #tpu.memory_space<vmem>>, %arg10: memref<224x128xbf16, #tpu.memory_space<vmem>>) attributes {dimension_semantics = [#tpu.dimension_semantics<arbitrary>], iteration_bounds = array<i64: 25>, scalar_prefetch = 0 : i64, scratch_operands = 1 : i64, tpu.core_type = #tpu.core_type<tc>, window_params = [{transform_indices = @transform_0, window_bounds = array<i64: 1, 1, 6400>}, {transform_indices = @transform_1, window_bounds = array<i64: 1, 1, 6400>}, {transform_indices = @transform_2, window_bounds = array<i64: 16, 6400>}, {pipeline_mode = #tpu.pipeline_mode<synchronous>, transform_indices = @transform_3, window_bounds = array<i64: 128, 128>}, {pipeline_mode = #tpu.pipeline_mode<synchronous>, transform_indices = @transform_4, window_bounds = array<i64: 384, 128>}, {pipeline_mode = #tpu.pipeline_mode<synchronous>, transform_indices = @transform_5, window_bounds = array<i64: 16, 128>}, {pipeline_mode = #tpu.pipeline_mode<synchronous>, transform_indices = @transform_6, window_bounds = array<i64: 128>}, {}, {transform_indices = @transform_8, window_bounds = array<i64: 6400, 128>}]} {
    %eq3A = arith.constant 0 : i32
    %eq3A_0 = arith.cmpi eq, %arg0, %eq3A : i32
    %convert_element_type3A = arith.extui %eq3A_0 : i1 to i32
    %cond3A = arith.constant 0 : i32
    %cond3A_1 = arith.cmpi ne, %convert_element_type3A, %cond3A : i32
    scf.if %cond3A_1 {
      %get3A_41 = arith.constant 0 : index
      %get3A_42 = arith.constant 0 : index
      %get3A_43 = vector.load %arg4[%get3A_41, %get3A_42] : memref<128x128xf32, #tpu.memory_space<vmem>>, vector<128x128xf32>
      %get3A_44 = arith.constant 0 : index
      %get3A_45 = arith.constant 0 : index
      %get3A_46 = vector.load %arg5[%get3A_44, %get3A_45] : memref<384x128xf32, #tpu.memory_space<vmem>>, vector<128x128xf32>
      %dot_general3A_47 = arith.constant dense<0.000000e+00> : vector<128x128xf32>
      %dot_general3A_48 = tpu.matmul %get3A_43, %get3A_46, %dot_general3A_47 {dimension_numbers = #tpu.dot_dimension_numbers<[1], [0], [0], [1], [0, 0, 1, 1], [], []>, transpose_lhs_hint = false} : vector<128x128xf32>, vector<128x128xf32>, vector<128x128xf32> -> vector<128x128xf32>
      %slice3A = vector.extract_strided_slice %dot_general3A_48 {offsets = [0, 0], sizes = [104, 128], strides = [1, 1]} : vector<128x128xf32> to vector<104x128xf32>
      %get3A_49 = arith.constant 128 : index
      %get3A_50 = arith.constant 0 : index
      %get3A_51 = vector.load %arg5[%get3A_49, %get3A_50] : memref<384x128xf32, #tpu.memory_space<vmem>>, vector<128x128xf32>
      %dot_general3A_52 = arith.constant dense<0.000000e+00> : vector<128x128xf32>
      %dot_general3A_53 = tpu.matmul %get3A_43, %get3A_51, %dot_general3A_52 {dimension_numbers = #tpu.dot_dimension_numbers<[1], [0], [0], [1], [0, 0, 1, 1], [], []>, transpose_lhs_hint = false} : vector<128x128xf32>, vector<128x128xf32>, vector<128x128xf32> -> vector<128x128xf32>
      %slice3A_54 = vector.extract_strided_slice %dot_general3A_53 {offsets = [0, 0], sizes = [104, 128], strides = [1, 1]} : vector<128x128xf32> to vector<104x128xf32>
      %get3A_55 = arith.constant 0 : index
      %get3A_56 = arith.constant 0 : index
      %get3A_57 = vector.load %arg6[%get3A_55, %get3A_56] : memref<16x128xf32, #tpu.memory_space<vmem>>, vector<16x128xf32>
      %get3A_58 = arith.constant 256 : index
      %get3A_59 = arith.constant 0 : index
      %get3A_60 = vector.load %arg5[%get3A_58, %get3A_59] : memref<384x128xf32, #tpu.memory_space<vmem>>, vector<128x128xf32>
      %dot_general3A_61 = arith.constant dense<0.000000e+00> : vector<16x128xf32>
      %dot_general3A_62 = tpu.matmul %get3A_57, %get3A_60, %dot_general3A_61 {dimension_numbers = #tpu.dot_dimension_numbers<[1], [0], [0], [1], [0, 0, 1, 1], [], []>, transpose_lhs_hint = false} : vector<16x128xf32>, vector<128x128xf32>, vector<16x128xf32> -> vector<16x128xf32>
      %concatenate3A_63 = tpu.concatenate %slice3A, %slice3A_54, %dot_general3A_62 in 0 : vector<104x128xf32>, vector<104x128xf32>, vector<16x128xf32> -> vector<224x128xf32>
      %convert_element_type3A_64 = arith.truncf %concatenate3A_63 : vector<224x128xf32> to vector<224x128xbf16>
      %swap3A_65 = arith.constant 0 : index
      %swap3A_66 = arith.constant 0 : index
      %swap3A_67 = vector.load %arg10[%swap3A_65, %swap3A_66] : memref<224x128xbf16, #tpu.memory_space<vmem>>, vector<224x128xbf16>
      tpu.vector_store %arg10[%swap3A_65, %swap3A_66], %convert_element_type3A_64 {strides = array<i32>} : memref<224x128xbf16, #tpu.memory_space<vmem>>, vector<224x128xbf16>,
    } else {
    }
    %get3A = arith.constant 0 : index
    %get3A_2 = arith.constant 0 : index
    %get3A_3 = arith.constant 0 : index
    %get3A_4 = vector.load %arg1[%get3A, %get3A_2, %get3A_3] : memref<1x1x6400xi32, #tpu.memory_space<vmem>>, vector<1x1x6400xi32>
    %get3A_5 = vector.shape_cast %get3A_4 : vector<1x1x6400xi32> to vector<6400xi32>
    %get3A_6 = arith.constant 0 : index
    %get3A_7 = arith.constant 0 : index
    %get3A_8 = arith.constant 0 : index
    %get3A_9 = vector.load %arg2[%get3A_6, %get3A_7, %get3A_8] : memref<1x1x6400xi32, #tpu.memory_space<vmem>>, vector<1x1x6400xi32>
    %get3A_10 = vector.shape_cast %get3A_9 : vector<1x1x6400xi32> to vector<6400xi32>
    %iota3A = tpu.iota {dimensions = array<i32: 0>} : vector<104x6400xi32>
    %broadcast_in_dim3A = vector.shape_cast %get3A_5 : vector<6400xi32> to vector<1x6400xi32>
    %eq3A_11 = vector.broadcast %broadcast_in_dim3A : vector<1x6400xi32> to vector<104x6400xi32>
    %eq3A_12 = arith.cmpi eq, %iota3A, %eq3A_11 : vector<104x6400xi32>
    %convert_element_type3A_13 = arith.extui %eq3A_12 : vector<104x6400xi1> to vector<104x6400xi32>
    %convert_element_type3A_14 = arith.sitofp %convert_element_type3A_13 : vector<104x6400xi32> to vector<104x6400xf32>
    %convert_element_type3A_15 = arith.truncf %convert_element_type3A_14 : vector<104x6400xf32> to vector<104x6400xbf16>
    %broadcast_in_dim3A_16 = vector.shape_cast %get3A_10 : vector<6400xi32> to vector<1x6400xi32>
    %eq3A_17 = vector.broadcast %broadcast_in_dim3A_16 : vector<1x6400xi32> to vector<104x6400xi32>
    %eq3A_18 = arith.cmpi eq, %iota3A, %eq3A_17 : vector<104x6400xi32>
    %convert_element_type3A_19 = arith.extui %eq3A_18 : vector<104x6400xi1> to vector<104x6400xi32>
    %convert_element_type3A_20 = arith.sitofp %convert_element_type3A_19 : vector<104x6400xi32> to vector<104x6400xf32>
    %convert_element_type3A_21 = arith.truncf %convert_element_type3A_20 : vector<104x6400xf32> to vector<104x6400xbf16>
    %get3A_22 = arith.constant 0 : index
    %get3A_23 = arith.constant 0 : index
    %get3A_24 = vector.load %arg3[%get3A_22, %get3A_23] : memref<16x6400xf32, #tpu.memory_space<vmem>>, vector<16x6400xf32>
    %convert_element_type3A_25 = arith.truncf %get3A_24 : vector<16x6400xf32> to vector<16x6400xbf16>
    %concatenate3A = tpu.concatenate %convert_element_type3A_15, %convert_element_type3A_21, %convert_element_type3A_25 in 0 : vector<104x6400xbf16>, vector<104x6400xbf16>, vector<16x6400xbf16> -> vector<224x6400xbf16>
    %get3A_26 = arith.constant 0 : index
    %get3A_27 = arith.constant 0 : index
    %get3A_28 = vector.load %arg10[%get3A_26, %get3A_27] : memref<224x128xbf16, #tpu.memory_space<vmem>>, vector<224x128xbf16>
    %dot_general3A = arith.constant dense<0.000000e+00> : vector<6400x128xf32>
    %dot_general3A_29 = tpu.matmul %concatenate3A, %get3A_28, %dot_general3A {dimension_numbers = #tpu.dot_dimension_numbers<[0], [0], [1], [1], [0, 1, 1, 1], [], []>, transpose_lhs_hint = false} : vector<224x6400xbf16>, vector<224x128xbf16>, vector<6400x128xf32> -> vector<6400x128xf32>
    %get3A_30 = arith.constant 0 : index
    %get3A_31 = vector.load %arg7[%get3A_30] : memref<128xf32, #tpu.memory_space<vmem>>, vector<128xf32>
    %broadcast_in_dim3A_32 = vector.shape_cast %get3A_31 : vector<128xf32> to vector<1x128xf32>
    %add3A = vector.broadcast %broadcast_in_dim3A_32 : vector<1x128xf32> to vector<6400x128xf32>
    %add3A_33 = arith.addf %dot_general3A_29, %add3A : vector<6400x128xf32>
    %logistic3A = arith.negf %add3A_33 : vector<6400x128xf32>
    %logistic3A_34 = math.exp %logistic3A : vector<6400x128xf32>
    %logistic3A_35 = arith.constant 1.000000e+00 : f32
    %logistic3A_36 = vector.broadcast %logistic3A_35 : f32 to vector<6400x128xf32>
    %logistic3A_37 = arith.addf %logistic3A_36, %logistic3A_34 : vector<6400x128xf32>
    %logistic3A_38 = arith.divf %logistic3A_36, %logistic3A_37 : vector<6400x128xf32>
    %mul3A = arith.mulf %add3A_33, %logistic3A_38 : vector<6400x128xf32>
    %swap3A = arith.constant 0 : index
    %swap3A_39 = arith.constant 0 : index
    %swap3A_40 = vector.load %arg9[%swap3A, %swap3A_39] : memref<6400x128xf32, #tpu.memory_space<vmem>>, vector<6400x128xf32>
    tpu.vector_store %arg9[%swap3A, %swap3A_39], %mul3A {strides = array<i32>} : memref<6400x128xf32, #tpu.memory_space<vmem>>, vector<6400x128xf32>,
    return
  }
  func.func @transform_0(%arg0: i32) -> (i32, i32, i32) {
    %c0_i32 = arith.constant 0 : i32
    %c0_i32_0 = arith.constant 0 : i32
    %c0_i32_1 = arith.constant 0 : i32
    return %arg0, %c0_i32, %c0_i32_0 : i32, i32, i32
  }
  func.func @transform_1(%arg0: i32) -> (i32, i32, i32) {
    %c0_i32 = arith.constant 0 : i32
    %c0_i32_0 = arith.constant 0 : i32
    %c0_i32_1 = arith.constant 0 : i32
    return %arg0, %c0_i32, %c0_i32_0 : i32, i32, i32
  }
  func.func @transform_2(%arg0: i32) -> (i32, i32) {
    %add3A = arith.constant 25 : i32
    %add3A_0 = arith.addi %arg0, %add3A : i32
    %c0_i32 = arith.constant 0 : i32
    %c0_i32_1 = arith.constant 0 : i32
    return %c0_i32, %add3A_0 : i32, i32
  }
  func.func @transform_3(%arg0: i32) -> (i32, i32) {
    %c0_i32 = arith.constant 0 : i32
    %c0_i32_0 = arith.constant 0 : i32
    %c0_i32_1 = arith.constant 0 : i32
    return %c0_i32, %c0_i32_0 : i32, i32
  }
  func.func @transform_4(%arg0: i32) -> (i32, i32) {
    %c0_i32 = arith.constant 0 : i32
    %c0_i32_0 = arith.constant 0 : i32
    %c0_i32_1 = arith.constant 0 : i32
    return %c0_i32, %c0_i32_0 : i32, i32
  }
  func.func @transform_5(%arg0: i32) -> (i32, i32) {
    %c0_i32 = arith.constant 0 : i32
    %c0_i32_0 = arith.constant 0 : i32
    %c0_i32_1 = arith.constant 0 : i32
    return %c0_i32, %c0_i32_0 : i32, i32
  }
  func.func @transform_6(%arg0: i32) -> i32 {
    %c0_i32 = arith.constant 0 : i32
    %c0_i32_0 = arith.constant 0 : i32
    return %c0_i32 : i32
  }
  func.func @transform_8(%arg0: i32) -> (i32, i32) {
    %add3A = arith.constant 25 : i32
    %add3A_0 = arith.addi %arg0, %add3A : i32
    %c0_i32 = arith.constant 0 : i32
    %c0_i32_1 = arith.constant 0 : i32
    return %add3A_0, %c0_i32 : i32, i32
  }
}

module attributes {stable_mosaic.version = 14 : i64} {
  func.func @body(%arg0: i32, %arg1: memref<1x1x6400xi32, #tpu.memory_space<vmem>>, %arg2: memref<1x1x6400xi32, #tpu.memory_space<vmem>>, %arg3: memref<16x6400xf32, #tpu.memory_space<vmem>>, %arg4: memref<128x128xf32, #tpu.memory_space<vmem>>, %arg5: memref<384x128xf32, #tpu.memory_space<vmem>>, %arg6: memref<16x128xf32, #tpu.memory_space<vmem>>, %arg7: memref<128xf32, #tpu.memory_space<vmem>>, %arg8: memref<6400x128xf32, #tpu.memory_space<vmem>>, %arg9: memref<224x128xbf16, #tpu.memory_space<vmem>>) attributes {dimension_semantics = [#tpu.dimension_semantics<arbitrary>], iteration_bounds = array<i64: 25>, scalar_prefetch = 0 : i64, scratch_operands = 1 : i64, tpu.core_type = #tpu.core_type<tc>, window_params = [{transform_indices = @transform_0, window_bounds = array<i64: 1, 1, 6400>}, {transform_indices = @transform_1, window_bounds = array<i64: 1, 1, 6400>}, {transform_indices = @transform_2, window_bounds = array<i64: 16, 6400>}, {pipeline_mode = #tpu.pipeline_mode<synchronous>, transform_indices = @transform_3, window_bounds = array<i64: 128, 128>}, {pipeline_mode = #tpu.pipeline_mode<synchronous>, transform_indices = @transform_4, window_bounds = array<i64: 384, 128>}, {pipeline_mode = #tpu.pipeline_mode<synchronous>, transform_indices = @transform_5, window_bounds = array<i64: 16, 128>}, {pipeline_mode = #tpu.pipeline_mode<synchronous>, transform_indices = @transform_6, window_bounds = array<i64: 128>}, {transform_indices = @transform_7, window_bounds = array<i64: 6400, 128>}]} {
    %eq3A = arith.constant 0 : i32
    %eq3A_0 = arith.cmpi eq, %arg0, %eq3A : i32
    %convert_element_type3A = arith.extui %eq3A_0 : i1 to i32
    %cond3A = arith.constant 0 : i32
    %cond3A_1 = arith.cmpi ne, %convert_element_type3A, %cond3A : i32
    scf.if %cond3A_1 {
      %get3A_41 = arith.constant 0 : index
      %get3A_42 = arith.constant 0 : index
      %get3A_43 = vector.load %arg4[%get3A_41, %get3A_42] : memref<128x128xf32, #tpu.memory_space<vmem>>, vector<128x128xf32>
      %get3A_44 = arith.constant 0 : index
      %get3A_45 = arith.constant 0 : index
      %get3A_46 = vector.load %arg5[%get3A_44, %get3A_45] : memref<384x128xf32, #tpu.memory_space<vmem>>, vector<128x128xf32>
      %dot_general3A_47 = arith.constant dense<0.000000e+00> : vector<128x128xf32>
      %dot_general3A_48 = tpu.matmul %get3A_43, %get3A_46, %dot_general3A_47 {dimension_numbers = #tpu.dot_dimension_numbers<[1], [0], [0], [1], [0, 0, 1, 1], [], []>, transpose_lhs_hint = false} : vector<128x128xf32>, vector<128x128xf32>, vector<128x128xf32> -> vector<128x128xf32>
      %slice3A = vector.extract_strided_slice %dot_general3A_48 {offsets = [0, 0], sizes = [104, 128], strides = [1, 1]} : vector<128x128xf32> to vector<104x128xf32>
      %get3A_49 = arith.constant 128 : index
      %get3A_50 = arith.constant 0 : index
      %get3A_51 = vector.load %arg5[%get3A_49, %get3A_50] : memref<384x128xf32, #tpu.memory_space<vmem>>, vector<128x128xf32>
      %dot_general3A_52 = arith.constant dense<0.000000e+00> : vector<128x128xf32>
      %dot_general3A_53 = tpu.matmul %get3A_43, %get3A_51, %dot_general3A_52 {dimension_numbers = #tpu.dot_dimension_numbers<[1], [0], [0], [1], [0, 0, 1, 1], [], []>, transpose_lhs_hint = false} : vector<128x128xf32>, vector<128x128xf32>, vector<128x128xf32> -> vector<128x128xf32>
      %slice3A_54 = vector.extract_strided_slice %dot_general3A_53 {offsets = [0, 0], sizes = [104, 128], strides = [1, 1]} : vector<128x128xf32> to vector<104x128xf32>
      %get3A_55 = arith.constant 0 : index
      %get3A_56 = arith.constant 0 : index
      %get3A_57 = vector.load %arg6[%get3A_55, %get3A_56] : memref<16x128xf32, #tpu.memory_space<vmem>>, vector<16x128xf32>
      %get3A_58 = arith.constant 256 : index
      %get3A_59 = arith.constant 0 : index
      %get3A_60 = vector.load %arg5[%get3A_58, %get3A_59] : memref<384x128xf32, #tpu.memory_space<vmem>>, vector<128x128xf32>
      %dot_general3A_61 = arith.constant dense<0.000000e+00> : vector<16x128xf32>
      %dot_general3A_62 = tpu.matmul %get3A_57, %get3A_60, %dot_general3A_61 {dimension_numbers = #tpu.dot_dimension_numbers<[1], [0], [0], [1], [0, 0, 1, 1], [], []>, transpose_lhs_hint = false} : vector<16x128xf32>, vector<128x128xf32>, vector<16x128xf32> -> vector<16x128xf32>
      %concatenate3A_63 = tpu.concatenate %slice3A, %slice3A_54, %dot_general3A_62 in 0 : vector<104x128xf32>, vector<104x128xf32>, vector<16x128xf32> -> vector<224x128xf32>
      %convert_element_type3A_64 = arith.truncf %concatenate3A_63 : vector<224x128xf32> to vector<224x128xbf16>
      %swap3A_65 = arith.constant 0 : index
      %swap3A_66 = arith.constant 0 : index
      %swap3A_67 = vector.load %arg9[%swap3A_65, %swap3A_66] : memref<224x128xbf16, #tpu.memory_space<vmem>>, vector<224x128xbf16>
      tpu.vector_store %arg9[%swap3A_65, %swap3A_66], %convert_element_type3A_64 {strides = array<i32>} : memref<224x128xbf16, #tpu.memory_space<vmem>>, vector<224x128xbf16>,
    } else {
    }
    %get3A = arith.constant 0 : index
    %get3A_2 = arith.constant 0 : index
    %get3A_3 = arith.constant 0 : index
    %get3A_4 = vector.load %arg1[%get3A, %get3A_2, %get3A_3] : memref<1x1x6400xi32, #tpu.memory_space<vmem>>, vector<1x1x6400xi32>
    %get3A_5 = vector.shape_cast %get3A_4 : vector<1x1x6400xi32> to vector<6400xi32>
    %get3A_6 = arith.constant 0 : index
    %get3A_7 = arith.constant 0 : index
    %get3A_8 = arith.constant 0 : index
    %get3A_9 = vector.load %arg2[%get3A_6, %get3A_7, %get3A_8] : memref<1x1x6400xi32, #tpu.memory_space<vmem>>, vector<1x1x6400xi32>
    %get3A_10 = vector.shape_cast %get3A_9 : vector<1x1x6400xi32> to vector<6400xi32>
    %iota3A = tpu.iota {dimensions = array<i32: 0>} : vector<104x6400xi32>
    %broadcast_in_dim3A = vector.shape_cast %get3A_5 : vector<6400xi32> to vector<1x6400xi32>
    %eq3A_11 = vector.broadcast %broadcast_in_dim3A : vector<1x6400xi32> to vector<104x6400xi32>
    %eq3A_12 = arith.cmpi eq, %iota3A, %eq3A_11 : vector<104x6400xi32>
    %convert_element_type3A_13 = arith.extui %eq3A_12 : vector<104x6400xi1> to vector<104x6400xi32>
    %convert_element_type3A_14 = arith.sitofp %convert_element_type3A_13 : vector<104x6400xi32> to vector<104x6400xf32>
    %convert_element_type3A_15 = arith.truncf %convert_element_type3A_14 : vector<104x6400xf32> to vector<104x6400xbf16>
    %broadcast_in_dim3A_16 = vector.shape_cast %get3A_10 : vector<6400xi32> to vector<1x6400xi32>
    %eq3A_17 = vector.broadcast %broadcast_in_dim3A_16 : vector<1x6400xi32> to vector<104x6400xi32>
    %eq3A_18 = arith.cmpi eq, %iota3A, %eq3A_17 : vector<104x6400xi32>
    %convert_element_type3A_19 = arith.extui %eq3A_18 : vector<104x6400xi1> to vector<104x6400xi32>
    %convert_element_type3A_20 = arith.sitofp %convert_element_type3A_19 : vector<104x6400xi32> to vector<104x6400xf32>
    %convert_element_type3A_21 = arith.truncf %convert_element_type3A_20 : vector<104x6400xf32> to vector<104x6400xbf16>
    %get3A_22 = arith.constant 0 : index
    %get3A_23 = arith.constant 0 : index
    %get3A_24 = vector.load %arg3[%get3A_22, %get3A_23] : memref<16x6400xf32, #tpu.memory_space<vmem>>, vector<16x6400xf32>
    %convert_element_type3A_25 = arith.truncf %get3A_24 : vector<16x6400xf32> to vector<16x6400xbf16>
    %concatenate3A = tpu.concatenate %convert_element_type3A_15, %convert_element_type3A_21, %convert_element_type3A_25 in 0 : vector<104x6400xbf16>, vector<104x6400xbf16>, vector<16x6400xbf16> -> vector<224x6400xbf16>
    %get3A_26 = arith.constant 0 : index
    %get3A_27 = arith.constant 0 : index
    %get3A_28 = vector.load %arg9[%get3A_26, %get3A_27] : memref<224x128xbf16, #tpu.memory_space<vmem>>, vector<224x128xbf16>
    %dot_general3A = arith.constant dense<0.000000e+00> : vector<6400x128xf32>
    %dot_general3A_29 = tpu.matmul %concatenate3A, %get3A_28, %dot_general3A {dimension_numbers = #tpu.dot_dimension_numbers<[0], [0], [1], [1], [0, 1, 1, 1], [], []>, transpose_lhs_hint = false} : vector<224x6400xbf16>, vector<224x128xbf16>, vector<6400x128xf32> -> vector<6400x128xf32>
    %get3A_30 = arith.constant 0 : index
    %get3A_31 = vector.load %arg7[%get3A_30] : memref<128xf32, #tpu.memory_space<vmem>>, vector<128xf32>
    %broadcast_in_dim3A_32 = vector.shape_cast %get3A_31 : vector<128xf32> to vector<1x128xf32>
    %add3A = vector.broadcast %broadcast_in_dim3A_32 : vector<1x128xf32> to vector<6400x128xf32>
    %add3A_33 = arith.addf %dot_general3A_29, %add3A : vector<6400x128xf32>
    %logistic3A = arith.negf %add3A_33 : vector<6400x128xf32>
    %logistic3A_34 = math.exp %logistic3A : vector<6400x128xf32>
    %logistic3A_35 = arith.constant 1.000000e+00 : f32
    %logistic3A_36 = vector.broadcast %logistic3A_35 : f32 to vector<6400x128xf32>
    %logistic3A_37 = arith.addf %logistic3A_36, %logistic3A_34 : vector<6400x128xf32>
    %logistic3A_38 = arith.divf %logistic3A_36, %logistic3A_37 : vector<6400x128xf32>
    %mul3A = arith.mulf %add3A_33, %logistic3A_38 : vector<6400x128xf32>
    %swap3A = arith.constant 0 : index
    %swap3A_39 = arith.constant 0 : index
    %swap3A_40 = vector.load %arg8[%swap3A, %swap3A_39] : memref<6400x128xf32, #tpu.memory_space<vmem>>, vector<6400x128xf32>
    tpu.vector_store %arg8[%swap3A, %swap3A_39], %mul3A {strides = array<i32>} : memref<6400x128xf32, #tpu.memory_space<vmem>>, vector<6400x128xf32>,
    return
  }
  func.func @transform_0(%arg0: i32) -> (i32, i32, i32) {
    %c0_i32 = arith.constant 0 : i32
    %c0_i32_0 = arith.constant 0 : i32
    %c0_i32_1 = arith.constant 0 : i32
    return %arg0, %c0_i32, %c0_i32_0 : i32, i32, i32
  }
  func.func @transform_1(%arg0: i32) -> (i32, i32, i32) {
    %c0_i32 = arith.constant 0 : i32
    %c0_i32_0 = arith.constant 0 : i32
    %c0_i32_1 = arith.constant 0 : i32
    return %arg0, %c0_i32, %c0_i32_0 : i32, i32, i32
  }
  func.func @transform_2(%arg0: i32) -> (i32, i32) {
    %add3A = arith.constant 0 : i32
    %add3A_0 = arith.addi %arg0, %add3A : i32
    %c0_i32 = arith.constant 0 : i32
    %c0_i32_1 = arith.constant 0 : i32
    return %c0_i32, %add3A_0 : i32, i32
  }
  func.func @transform_3(%arg0: i32) -> (i32, i32) {
    %c0_i32 = arith.constant 0 : i32
    %c0_i32_0 = arith.constant 0 : i32
    %c0_i32_1 = arith.constant 0 : i32
    return %c0_i32, %c0_i32_0 : i32, i32
  }
  func.func @transform_4(%arg0: i32) -> (i32, i32) {
    %c0_i32 = arith.constant 0 : i32
    %c0_i32_0 = arith.constant 0 : i32
    %c0_i32_1 = arith.constant 0 : i32
    return %c0_i32, %c0_i32_0 : i32, i32
  }
  func.func @transform_5(%arg0: i32) -> (i32, i32) {
    %c0_i32 = arith.constant 0 : i32
    %c0_i32_0 = arith.constant 0 : i32
    %c0_i32_1 = arith.constant 0 : i32
    return %c0_i32, %c0_i32_0 : i32, i32
  }
  func.func @transform_6(%arg0: i32) -> i32 {
    %c0_i32 = arith.constant 0 : i32
    %c0_i32_0 = arith.constant 0 : i32
    return %c0_i32 : i32
  }
  func.func @transform_7(%arg0: i32) -> (i32, i32) {
    %add3A = arith.constant 0 : i32
    %add3A_0 = arith.addi %arg0, %add3A : i32
    %c0_i32 = arith.constant 0 : i32
    %c0_i32_1 = arith.constant 0 : i32
    return %add3A_0, %c0_i32 : i32, i32
  }
}

</mosaic_0001>

<sc_bundles>
// kernel: kernel.6.cloned.1.call-start
scs
__scs_entry_jumppad:
0x0: {  	(pc) =	sbr.rel $0x88, $3  }
0x1: {  	(tag) =	ssettag $0x0;
	lr =	simm.s32 $0x1  }
0x2: {  	[smem:$0x3F99] =	sst lr;
	_ =	strace $0xD0000000  }
0x3: {  	_ = 	snop  }
0x4: {  	_ = 	snop  }
0x5: {  	_ = 	snop  }
0x6: {  	_ = 	snop  }
0x7: {  	_ = 	snop  }
__scs_overlays_trampoline_lowered:
0x8: {  	[smem:$0x3FA8] =	sst s0  }
0x9: {  	[smem:$0x3FA9] =	sst s1  }
0xa: {  	[smem:$0x3FAA] =	sst s2  }
0xb: {  	[smem:$0x3FAB] =	sst s3  }
0xc: {  	[smem:$0x3FAC] =	sst s4  }
0xd: {  	[smem:$0x3FAD] =	sst s5  }
0xe: {  	[smem:$0x3FAE] =	sst s6  }
0xf: {  	[smem:$0x3FAF] =	sst s7  }
0x10: {  	[smem:$0x3FB0] =	sst s8  }
0x11: {  	[smem:$0x3FB1] =	sst s9;
	s0 =	simm.s32 @!p0 $0x0  }
0x12: {  	s1 =	sld [smem:$0x3F97];
	s0 =	simm.s32 @p0 $0x1  }
0x13: {  	[smem:$0x3FB2] =	sst s0;
	s0 =	simm.s32 @!p1 $0x0  }
0x14: {  	s2 =	sld [smem:$0x3F96];
	s0 =	simm.s32 @p1 $0x1  }
0x15: {  	[smem:$0x3FB3] =	sst s0;
	s0 =	simm.s32 @!p2 $0x0  }
0x16: {  	s3 =	sld [smem:$0x3FDB];
	s0 =	simm.s32 @p2 $0x1  }
0x17: {  	s4 =	simm.s32 $0x1BF5;
	[smem:$0x3FB5] =	sst s0  }
0x18: {  	s0 =	sld [smem:$0x3F98];
	_ =	swait.ge [sflag:s4], $0x0  }
0x19: {  	s7 =	sld [smem:$0x3F99]  }
0x1a: {  	s8 =	sadd.s32 $0xFFFFE003, lr  }
0x1b: {  	s9 =	sadd.s32 $0xFFFFFEF7, lr;
	s5 =	simm.s32 $0xFFFFFFFF;
	p2 =	slt.u32 s8, $0xFFFFF086  }
0x1c: {  	p1 =	slt.u32 s9, $0xF7A;
	s5 =	simm.s32 @!p2 $0x0  }
0x1d: {  	s5 =	simm.s32 @p1 $0x1;
	p0 =	seq.s32 s7, s2  }
0x1e: {  	s7 =	smul.u32 @!p0 $0xF7A, s2;
	p2 =	seq.s32 @!p0 s5, $0x0  }
0x1f: {  	s9 =	smul.u32 $0xF7A, s1;
	s8 =	simm.s32 @!p0 $0x1BF5;
	p2 =	por !p2, p0  }
0x20: {  	[sflag:s8] =	ssyncset.s32 @!p0 $0xFFFFF086;
	s6 =	sadd.s32 @!p0 s3, s7;
	s7 =	simm.s32 @!p0 $0x108  }
0x21: {  	s3 =	sadd.s32 s3, s9;
	s6 =	sadd.s32 @!p0 $0x88, s6;
	s7 =	simm.s32 @p2 $0x1082  }
0x22: {  	[simem:s7], [sflag:s8] =	dma.local @!p0 [hbm:s6], $0xF7A  }
0x23: {  	s9 =	sor.u32 $0xD0000000, s2;
	s6 =	simm.s32 $0x108;
	_ =	swait.ge @!p0 [sflag:s8], $0x0  }
0x24: {  	s3 =	sadd.s32 $0x88, s3;
	s6 =	simm.s32 @!p1 $0x1082;
	[sflag:s4] =	ssyncset.s32 $0xFFFFF086  }
0x25: {  	[simem:s6], [sflag:s4] =	dma.local [hbm:s3], $0xF7A  }
0x26: {  	[smem:$0x3F99] =	sst s1;
	(tag) =	ssettag s2;
	_ =	strace s9  }
0x27: {  	s1 =	sld [smem:$0x3FA9]  }
0x28: {  	s2 =	sld [smem:$0x3FAA]  }
0x29: {  	s4 =	sld [smem:$0x3FAC]  }
0x2a: {  	p0 =	seq.s32 s5, $0x0;
	s5 =	sld [smem:$0x3FAD]  }
0x2b: {  	s6 =	sld [smem:$0x3FAE]  }
0x2c: {  	s7 =	sld [smem:$0x3FAF]  }
0x2d: {  	s3 =	simm.s32 $0x108;
	s8 =	sld [smem:$0x3FB0]  }
0x2e: {  	s3 =	simm.s32 @!p0 $0x1082;
	s9 =	sld [smem:$0x3FB1]  }
0x2f: {  	lr =	sadd.s32 s0, s3;
	s0 =	sld [smem:$0x3FA8]  }
0x30: {  	s3 =	sld [smem:$0x3FAB]  }
0x31: {  	[smem:$0x3FB4] =	sst s10  }
0x32: {  	s10 =	sld [smem:$0x3FB2];
	_ =	sdelay $0x3  }
0x33: {  	p0 =	seq.s32 s10, $0x1;
	s10 =	sld [smem:$0x3FB4];
	_ =	sdelay $0x3  }
0x34: {  	[smem:$0x3FB4] =	sst s10  }
0x35: {  	s10 =	sld [smem:$0x3FB3];
	_ =	sdelay $0x3  }
0x36: {  	p1 =	seq.s32 s10, $0x1;
	s10 =	sld [smem:$0x3FB4];
	_ =	sdelay $0x3  }
0x37: {  	[smem:$0x3FB4] =	sst s10  }
0x38: {  	s10 =	sld [smem:$0x3FB5]  }
0x39: {  	_ = 	snop;
	(pc) =	sbr.ind lr, $3  }
0x3a: {  	_ = 	snop  }
0x3b: {  	_ = 	snop  }
0x3c: {  	p2 =	seq.s32 s10, $0x1;
	s10 =	sld [smem:$0x3FB4]  }
0x3d: {  	_ =	shalt  }
0x3e: {  	_ =	shalt  }
0x3f: {  	_ =	shalt  }
0x40: {  	_ =	shalt  }
0x41: {  	_ =	shalt  }
0x42: {  	_ =	shalt  }
0x43: {  	_ =	shalt  }
0x44: {  	_ =	shalt  }
0x45: {  	_ =	shalt  }
0x46: {  	_ =	shalt  }
0x47: {  	_ =	shalt  }
0x48: {  	_ =	shalt  }
0x49: {  	_ =	shalt  }
0x4a: {  	_ =	shalt  }
0x4b: {  	_ =	shalt  }
0x4c: {  	_ =	shalt  }
0x4d: {  	_ =	shalt  }
0x4e: {  	_ =	shalt  }
0x4f: {  	_ =	shalt  }
0x50: {  	_ =	shalt  }
0x51: {  	_ =	shalt  }
0x52: {  	_ =	shalt  }
0x53: {  	_ =	shalt  }
0x54: {  	_ =	shalt  }
0x55: {  	_ =	shalt  }
0x56: {  	_ =	shalt  }
0x57: {  	_ =	shalt  }
0x58: {  	_ =	shalt  }
0x59: {  	_ =	shalt  }
0x5a: {  	_ =	shalt  }
0x5b: {  	_ =	shalt  }
0x5c: {  	_ =	shalt  }
0x5d: {  	_ =	shalt  }
0x5e: {  	_ =	shalt  }
0x5f: {  	_ =	shalt  }
0x60: {  	_ =	shalt  }
0x61: {  	_ =	shalt  }
0x62: {  	_ =	shalt  }
0x63: {  	_ =	shalt  }
0x64: {  	_ =	shalt  }
0x65: {  	_ =	shalt  }
0x66: {  	_ =	shalt  }
0x67: {  	_ =	shalt  }
0x68: {  	_ =	shalt  }
0x69: {  	_ =	shalt  }
0x6a: {  	_ =	shalt  }
0x6b: {  	_ =	shalt  }
0x6c: {  	_ =	shalt  }
0x6d: {  	_ =	shalt  }
0x6e: {  	_ =	shalt  }
0x6f: {  	_ =	shalt  }
0x70: {  	_ =	shalt  }
0x71: {  	_ =	shalt  }
0x72: {  	_ =	shalt  }
0x73: {  	_ =	shalt  }
0x74: {  	_ =	shalt  }
0x75: {  	_ =	shalt  }
0x76: {  	_ =	shalt  }
0x77: {  	_ =	shalt  }
0x78: {  	_ =	shalt  }
0x79: {  	_ =	shalt  }
0x7a: {  	_ =	shalt  }
0x7b: {  	_ =	shalt  }
0x7c: {  	_ =	shalt  }
0x7d: {  	_ =	shalt  }
0x7e: {  	_ =	shalt  }
0x7f: {  	_ =	shalt  }
0x80: {  	_ =	shalt  }
0x81: {  	_ =	shalt  }
0x82: {  	_ =	shalt  }
0x83: {  	_ =	shalt  }
0x84: {  	_ =	shalt  }
0x85: {  	_ =	shalt  }
0x86: {  	_ =	shalt  }
0x87: {  	_ =	shalt  }
.Lfunc_end0:
.L_simem_size_0:
called_computation_lowered:
.L_overlay_start_0:
0x88: {  	s2 =	sld [smem:$0x3FD9]  }
0x89: {  	s3 =	sld [smem:$0x3FFE];
	_ =	sdelay $0x1  }
0x8a: {  	s1 =	srdreg.scid  }
0x8b: {  	s0 =	sand.u32 $0x1, s1  }
0x8c: {  	s17 =	sshll.u32 s0, $0xA;
	s2 =	sadd.s32 s3, s2  }
0x8d: {  	s2 =	sadd.s32 s2, s17  }
0x8e: {  	[smem:$0x3FC0] =	sst s2  }
0x8f: {  	_ = 	snop  }
0x90: {  	s2 =	sld [smem:$0x3FC9]  }
0x91: {  	s18 =	sld [smem:$0x3FC7]  }
0x92: {  	s4 =	sld [smem:$0x3FC6]  }
0x93: {  	s5 =	sld [smem:$0x3FD0];
	(tm) =	ssettm $0x1  }
0x94: {  	s6 =	sld [smem:$0x3FFB];
	_ =	sdelay $0x3  }
0x95: {  	_ =	strace s6  }
0x96: {  	s6 =	sld [smem:$0x3FFC];
	_ =	sdelay $0x3  }
0x97: {  	_ =	strace s6  }
0x98: {  	s6 =	sld [smem:$0x3FFD];
	_ =	sdelay $0x3  }
0x99: {  	_ =	strace s6  }
0x9a: {  	_ =	strace $0x8FFFFFFF  }
0x9b: {  	s19 =	sld [smem:$0x3FDB];
	_ =	sdelay $0x1  }
0x9c: {  	s7 =	simm.s32 $_scs_section_size  }
0x9d: {  	s8 =	simm.s32 $_size__tile_overlayer_lowered;
	s9 =	simm.s32 $_tile_overlayer_lowered  }
0x9e: {  	s22 =	simm.s32 $0x1BFF;
	s21 =	sshll.u32 s9, $0x1;
	s6 =	sadd.s32 s7, s19  }
0x9f: {  	s10 =	simm.s32 $0x0;
	s20 =	sshll.u32 s8, $0x1;
	s8 =	sadd.s32 s21, s6  }
0xa0: {  	[timem:s10], [sflag:s22] =	dma.local [hbm:s8], s20  }
0xa1: {  	_ =	swait.ge [sflag:s22], s20  }
0xa2: {  	s7 =	ssub.s32 $0x0, s20;
	[sflag:s22] =	ssyncset.done $0x0  }
0xa3: {  	[sflag:s22] =	ssyncadd.s32 s7;
	_ =	sdelay $0x1  }
0xa4: {  	s23 =	simm.s32 $0x1B8B  }
0xa5: {  	_ =	swait.ge [sflag:s23], $0x1  }
0xa6: {  	[sflag:s23] =	ssyncset.done $0x0  }
0xa7: {  	s25 =	simm.s32 $0x1B8E;
	s24 =	sld [smem:$0x3FFE];
	[sflag:s23] =	ssyncadd.s32 $0xFFFFFFFF  }
0xa8: {  	s26 =	simm.s32 $execute0_lowered;
	[smem:$0x3FD2] =	sst s25  }
0xa9: {  	s8 =	sshll.u32 s26, $0x1;
	_ =	strace $0x80000046;
	[dreg:$0x1] =	wrdreg $0xFFFFFFFF  }
0xaa: {  	s28 =	simm.s32 $_size_execute0_lowered;
	s6 =	sadd.s32 s6, s8;
	[dreg:$0x0] =	wrdreg $0x0  }
0xab: {  	s8 =	sshll.u32 s28, $0x1;
	[dreg:$0x2] =	wrdreg s6  }
0xac: {  	[dreg:$0x3] =	wrdreg s8  }
0xad: {  	[dreg:$0x4] =	wrdreg $0xC0  }
0xae: {  	_ =	task [dreg:s10], $0x5FFFF  }
0xaf: {  	[dreg:$0x1] =	wrdreg $0xFFFFFFFF  }
0xb0: {  	[dreg:$0x0] =	wrdreg $0x60  }
0xb1: {  	[dreg:$0x2] =	wrdreg s2  }
0xb2: {  	[dreg:$0x3] =	wrdreg s18  }
0xb3: {  	[dreg:$0x4] =	wrdreg s4  }
0xb4: {  	[dreg:$0x5] =	wrdreg s5  }
0xb5: {  	[dreg:$0x6] =	wrdreg s24  }
0xb6: {  	[dreg:$0x7] =	wrdreg $0x0  }
0xb7: {  	[dreg:$0x8] =	wrdreg $0x9  }
0xb8: {  	_ =	task.clear_ibuf [dreg:s10], $0x9FFFF;
	_ =	strace $0x90000046  }
0xb9: {  	s29 =	simm.s32 $0x9;
	_ =	strace $0x80000048  }
0xba: {  	_ =	swait.ge [sflag:s29], $0x1  }
0xbb: {  	[sflag:s29] =	ssyncadd.s32 $0xFFFFFFFF  }
0xbc: {  	_ =	strace $0x90000048  }
0xbd: {  	_ =	sfence  }
0xbe: {  	s30 =	sld [smem:$0x0];
	_ =	sdelay $0x2  }
0xbf: {  	s31 =	sshll.u32 s1, $0xD;
	s1 =	sshrl.u32 s1, $0x2  }
0xc0: {  	s3 =	sand.u32 $0x4000, s31;
	s1 =	sadd.s32 s1, s30  }
0xc1: {  	s0 =	sor.u32 s3, s0;
	s1 =	sshll.u32 s1, $0x11  }
0xc2: {  	s0 =	sor.u32 s1, s0  }
0xc3: {  	s0 =	sadd.s32 $0x8F2B, s0  }
0xc4: {  	[sflag:s0] =	ssyncadd.remote.s32 $0x1  }
0xc5: {  	_ =	sfence.sel $0xFFFF  }
0xc6: {  	[dreg:$0x0] =	wrdreg $0xFFFFFFFF;
	(pc) =	sbr.abs _section_cstart, $3  }
0xc7: {  	[dreg:$0x1] =	wrdreg $0xFFFFFFFF  }
0xc8: {  	_ =	task.clear_ibuf [dreg:s10], $0x2FFFF;
	_ =	strace $0x9FFFFFFF  }
0xc9: {  	(tm) =	ssettm $0x7FFFFFFF  }
tec
execute0_lowered:
.L_overlay_start_1:
0x0: {  	(tag) =	ssettag $0x1  }
0x1: {  	s6 =	srdreg.scid;
	s8 =	stileid.u32  }
0x2: {  	s6 =	sand.u32 $0x1, s6;
	s9 =	sshll.u32 s8, $0x1  }
0x3: {  	s4 =	rddreg [dreg:$0x0];
	s9 =	sor.u32 s6, s9;
	s6 =	ssub.s32 $0x2, s6  }
0x4: {  	s2 =	rddreg [dreg:$0x1];
	s11 =	sshrl.u32 s6, $0x1  }
0x5: {  	s3 =	rddreg [dreg:$0x2];
	s11 =	ssub.s32 s6, s11  }
0x6: {  	s7 =	rddreg [dreg:$0x3];
	s31 =	smax.u32 s11, $0x1  }
0x7: {  	s5 =	rddreg [dreg:$0x4];
	s18 =	sadd.s32 $0xFFFFFFFF, s31  }
0x8: {  	s1 =	rddreg [dreg:$0x5];
	p3 =	sne.s32 s18, $0x0  }
.Ltmp0:
0x9: {  	s0 =	rddreg [dreg:$0x6];
	s10 =	simm.s32 $0x0;
	(pc) =	sbr.rel @!p3 .LBB2_3-.Ltmp0, $4  }
0xa: {  	p2 =	por $0x0, $0x0;
	[smem:$0x7FF] =	sst s10;
	s30 =	smul.u32 $0x320, s9  }
0xb: {  	p0 =	sne.s32 s8, $0x0;
	_ =	strace $0x80000047;
	p1 =	sgt.u32 s9, $0x18  }
0xc: {  	s12 =	sadd.s32 s30, s5;
	s6 =	sadd.s32 s2, s30;
	s5 =	sadd.s32 s3, s30  }
0xd: {  	s3 =	sadd.s32 s7, s30;
	s7 =	sshrl.u32 @!p0 s1, $0x3;
	s2 =	sadd.s32 $0x2000, s12  }
0xe: {  	s9 =	simm.s32 @!p0 $0x1C02;
	s10 =	simm.s32 @!p0 $0x2  }
0xf: {  	[spmem:s7], [sflag:s9] =	dma.local @!p0 [hbm:s4], $0x4F0  }
0x10: {  	_ =	swait.ge @!p0 [sflag:s10], $0x4F0  }
0x11: {  	[sflag:s10] =	ssyncset.done @!p0 $0x0  }
0x12: {  	s8 =	simm.s32 @!p1 $0x2;
	[sflag:s10] =	ssyncadd.s32 @!p0 $0xFFFFFB10  }
0x13: {  	s11 =	simm.s32 @!p1 $0x0;
	s12 =	simm.s32 @!p1 $0x278;
	[bflag:$0x0] =	sbarrier.arrive $0xFFFF  }
0x14: {  	[tilespmem:s12], [sflag:$0x2] =	stream.linear.gather @!p1 [hbm4b:s6+s11], $0x1900, $0x38;
	[tilespmem:$0x6678] =	vst v63  }
0x15: {  	_ =	swait.ge @!p1 [sflag:s8], $0x1900  }
0x16: {  	[sflag:s8] =	ssyncset.done @!p1 $0x0  }
0x17: {  	s13 =	simm.s32 @!p1 $0x1B78;
	[sflag:s8] =	ssyncadd.s32 @!p1 $0xFFFFE700  }
0x18: {  	[tilespmem:s13], [sflag:$0x2] =	stream.linear.gather @!p1 [hbm4b:s5+s11], $0x1900, $0x38;
	[tilespmem:$0x6678] =	vst v63  }
0x19: {  	_ =	swait.ge @!p1 [sflag:s8], $0x1900  }
0x1a: {  	[sflag:s8] =	ssyncset.done @!p1 $0x0  }
0x1b: {  	s14 =	simm.s32 @!p1 $0x1900;
	s15 =	simm.s32 @!p1 $0x3478;
	[sflag:s8] =	ssyncadd.s32 @!p1 $0xFFFFE700  }
0x1c: {  	[tilespmem:s15], [sflag:$0x1] =	stream.indirect.gather @!p1 [spmem:s1], $0x1, s12, s14, $0xb8;
	[tilespmem:$0x6678] =	vst v63  }
0x1d: {  	s16 =	simm.s32 @!p1 $0x4D78;
	s17 =	simm.s32 @!p1 $0x1  }
0x1e: {  	[tilespmem:s16], [sflag:$0x1] =	stream.indirect.gather @!p1 [spmem:s1], $0x1, s13, s14, $0xb8;
	[tilespmem:$0x6678] =	vst v63  }
0x1f: {  	_ =	swait.ge @!p1 [sflag:s17], $0x1900  }
0x20: {  	[sflag:s17] =	ssyncset.done @!p1 $0x0  }
0x21: {  	[sflag:s17] =	ssyncadd.s32 @!p1 $0xFFFFE700  }
0x22: {  	_ =	swait.ge @!p1 [sflag:s17], $0x1900  }
0x23: {  	[sflag:s17] =	ssyncset.done @!p1 $0x0  }
0x24: {  	s18 =	sadd.s32 $0xFFFFFFFF, s18;
	[sflag:s17] =	ssyncadd.s32 @!p1 $0xFFFFE700  }
0x25: {  	[hbm4b:s3+s11] =	stream.linear.scatter @!p1 [tilespmem:s15], [sflag:$0x2], $0x1900, $0x38;
	[tilespmem:$0x6678] =	vst v63  }
0x26: {  	p3 =	sne.s32 s18, $0x0;
	_ =	swait.ge @!p1 [sflag:s8], $0x1900  }
.Ltmp1:
0x27: {  	[sflag:s8] =	ssyncset.done @!p1 $0x0;
	(pc) =	sbr.rel @!p3 .LBB2_3-.Ltmp1, $4  }
0x28: {  	[sflag:s8] =	ssyncadd.s32 @!p1 $0xFFFFE700  }
0x29: {  	[hbm4b:s2+s11] =	stream.linear.scatter @!p1 [tilespmem:s16], [sflag:$0x2], $0x1900, $0x38;
	[tilespmem:$0x6678] =	vst v63  }
0x2a: {  	_ =	swait.ge @!p1 [sflag:s8], $0x1900  }
0x2b: {  	p2 =	por $0x1, $0x1;
	[sflag:s8] =	ssyncset.done @!p1 $0x0  }
.LBB2_2:
0x2c: {  	[sflag:s8] =	ssyncadd.s32 @!p1 $0xFFFFE700  }
0x2d: {  	[spmem:s7], [sflag:s9] =	dma.local @!p0 [hbm:s4], $0x4F0  }
0x2e: {  	s18 =	sadd.s32 $0xFFFFFFFF, s18;
	_ =	swait.ge @!p0 [sflag:s10], $0x4F0  }
0x2f: {  	p3 =	sne.s32 s18, $0x0;
	[sflag:s10] =	ssyncset.done @!p0 $0x0  }
0x30: {  	[sflag:s10] =	ssyncadd.s32 @!p0 $0xFFFFFB10  }
0x31: {  	[bflag:$0x0] =	sbarrier.arrive $0xFFFF  }
0x32: {  	[tilespmem:s12], [sflag:$0x2] =	stream.linear.gather @!p1 [hbm4b:s6+s11], $0x1900, $0x38;
	[tilespmem:$0x6678] =	vst v63  }
0x33: {  	_ =	swait.ge @!p1 [sflag:s8], $0x1900  }
0x34: {  	[sflag:s8] =	ssyncset.done @!p1 $0x0  }
0x35: {  	[sflag:s8] =	ssyncadd.s32 @!p1 $0xFFFFE700  }
0x36: {  	[tilespmem:s13], [sflag:$0x2] =	stream.linear.gather @!p1 [hbm4b:s5+s11], $0x1900, $0x38;
	[tilespmem:$0x6678] =	vst v63  }
0x37: {  	_ =	swait.ge @!p1 [sflag:s8], $0x1900  }
0x38: {  	[sflag:s8] =	ssyncset.done @!p1 $0x0  }
0x39: {  	[sflag:s8] =	ssyncadd.s32 @!p1 $0xFFFFE700  }
0x3a: {  	[tilespmem:s15], [sflag:$0x1] =	stream.indirect.gather @!p1 [spmem:s1], $0x1, s12, s14, $0xb8;
	[tilespmem:$0x6678] =	vst v63  }
0x3b: {  	_ = 	snop  }
0x3c: {  	[tilespmem:s16], [sflag:$0x1] =	stream.indirect.gather @!p1 [spmem:s1], $0x1, s13, s14, $0xb8;
	[tilespmem:$0x6678] =	vst v63  }
0x3d: {  	_ =	swait.ge @!p1 [sflag:s17], $0x1900  }
0x3e: {  	[sflag:s17] =	ssyncset.done @!p1 $0x0  }
0x3f: {  	[sflag:s17] =	ssyncadd.s32 @!p1 $0xFFFFE700  }
0x40: {  	_ =	swait.ge @!p1 [sflag:s17], $0x1900  }
0x41: {  	[sflag:s17] =	ssyncset.done @!p1 $0x0  }
0x42: {  	[sflag:s17] =	ssyncadd.s32 @!p1 $0xFFFFE700  }
0x43: {  	[hbm4b:s3+s11] =	stream.linear.scatter @!p1 [tilespmem:s15], [sflag:$0x2], $0x1900, $0x38;
	[tilespmem:$0x6678] =	vst v63  }
0x44: {  	_ =	swait.ge @!p1 [sflag:s8], $0x1900  }
.Ltmp2:
0x45: {  	[sflag:s8] =	ssyncset.done @!p1 $0x0;
	(pc) =	sbr.rel @p3 .LBB2_2-.Ltmp2, $4  }
0x46: {  	[sflag:s8] =	ssyncadd.s32 @!p1 $0xFFFFE700  }
0x47: {  	[hbm4b:s2+s11] =	stream.linear.scatter @!p1 [tilespmem:s16], [sflag:$0x2], $0x1900, $0x38;
	[tilespmem:$0x6678] =	vst v63  }
0x48: {  	_ =	swait.ge @!p1 [sflag:s8], $0x1900  }
0x49: {  	[sflag:s8] =	ssyncset.done @!p1 $0x0  }
.LBB2_3:
0x4a: {  	p2 =	por p1, !p2  }
0x4b: {  	s9 =	simm.s32 @!p0 $0x1C02;
	s10 =	simm.s32 @!p0 $0x2;
	[sflag:s8] =	ssyncadd.s32 @!p2 $0xFFFFE700  }
0x4c: {  	[spmem:s7], [sflag:s9] =	dma.local @!p0 [hbm:s4], $0x4F0  }
0x4d: {  	_ =	swait.ge @!p0 [sflag:s10], $0x4F0  }
0x4e: {  	[sflag:s10] =	ssyncset.done @!p0 $0x0  }
0x4f: {  	s8 =	simm.s32 @!p1 $0x278;
	[sflag:s10] =	ssyncadd.s32 @!p0 $0xFFFFFB10  }
0x50: {  	s4 =	simm.s32 @!p1 $0x2;
	s7 =	simm.s32 @!p1 $0x0;
	[bflag:$0x0] =	sbarrier.arrive $0xFFFF  }
0x51: {  	[tilespmem:s8], [sflag:$0x2] =	stream.linear.gather @!p1 [hbm4b:s6+s7], $0x1900, $0x38;
	[tilespmem:$0x6678] =	vst v63  }
0x52: {  	_ =	swait.ge @!p1 [sflag:s4], $0x1900  }
0x53: {  	[sflag:s4] =	ssyncset.done @!p1 $0x0  }
0x54: {  	s6 =	simm.s32 @!p1 $0x1B78;
	[sflag:s4] =	ssyncadd.s32 @!p1 $0xFFFFE700  }
0x55: {  	[tilespmem:s6], [sflag:$0x2] =	stream.linear.gather @!p1 [hbm4b:s5+s7], $0x1900, $0x38;
	[tilespmem:$0x6678] =	vst v63  }
0x56: {  	_ =	swait.ge @!p1 [sflag:s4], $0x1900  }
0x57: {  	[sflag:s4] =	ssyncset.done @!p1 $0x0  }
0x58: {  	s9 =	simm.s32 @!p1 $0x3478;
	s5 =	simm.s32 @!p1 $0x1900;
	[sflag:s4] =	ssyncadd.s32 @!p1 $0xFFFFE700  }
0x59: {  	[tilespmem:s9], [sflag:$0x1] =	stream.indirect.gather @!p1 [spmem:s1], $0x1, s8, s5, $0xb8;
	[tilespmem:$0x6678] =	vst v63  }
0x5a: {  	s10 =	simm.s32 @!p1 $0x1;
	s8 =	simm.s32 @!p1 $0x4D78  }
0x5b: {  	[tilespmem:s8], [sflag:$0x1] =	stream.indirect.gather @!p1 [spmem:s1], $0x1, s6, s5, $0xb8;
	[tilespmem:$0x6678] =	vst v63  }
0x5c: {  	_ =	swait.ge @!p1 [sflag:s10], $0x1900  }
0x5d: {  	[sflag:s10] =	ssyncset.done @!p1 $0x0  }
0x5e: {  	[sflag:s10] =	ssyncadd.s32 @!p1 $0xFFFFE700  }
0x5f: {  	_ =	swait.ge @!p1 [sflag:s10], $0x1900  }
0x60: {  	[sflag:s10] =	ssyncset.done @!p1 $0x0  }
0x61: {  	[sflag:s10] =	ssyncadd.s32 @!p1 $0xFFFFE700  }
0x62: {  	[hbm4b:s3+s7] =	stream.linear.scatter @!p1 [tilespmem:s9], [sflag:$0x2], $0x1900, $0x38;
	[tilespmem:$0x6678] =	vst v63  }
0x63: {  	_ =	swait.ge @!p1 [sflag:s4], $0x1900  }
0x64: {  	[sflag:s4] =	ssyncset.done @!p1 $0x0  }
0x65: {  	[sflag:s4] =	ssyncadd.s32 @!p1 $0xFFFFE700  }
0x66: {  	[hbm4b:s2+s7] =	stream.linear.scatter @!p1 [tilespmem:s8], [sflag:$0x2], $0x1900, $0x38;
	[tilespmem:$0x6678] =	vst v63  }
0x67: {  	_ =	swait.ge @!p1 [sflag:s4], $0x1900  }
0x68: {  	[sflag:s4] =	ssyncset.done @!p1 $0x0  }
0x69: {  	[sflag:s4] =	ssyncadd.s32 @!p1 $0xFFFFE700  }
0x6a: {  	_ =	sfence.sel $0x180000  }
0x6b: {  	[bflag:$0x0] =	sbarrier.arrive $0xFFFF  }
0x6c: {  	_ =	strace $0x90000047  }
0x6d: {  	s0 =	sadd.s32 @!p0 $0x100000, s0;
	[bflag:$0x2] =	sbarrier.arrive $0xFFFF  }
0x6e: {  	[sflag:s0] =	ssyncadd.tile.s32 @!p0 $0x1;
	_ =	shalt  }
.Lfunc_end2:
_tile_overlayer_lowered:
.L_overlay_start_2:
0x6f: {  	(tag) =	ssettag $0x2  }
0x70: {  	s0 =	rddreg [dreg:$0x0];
	s2 =	stileid.u32  }
0x71: {  	s1 =	rddreg [dreg:$0x1];
	p0 =	sne.s32 s2, $0x0  }
0x72: {  	s3 =	rddreg [dreg:$0x2];
	[bflag:$0x3] =	sbarrier.arrive $0xFFFF;
	s2 =	simm.s32 @!p0 $0x1C02  }
0x73: {  	[timem:s3], [sflag:s2] =	dma.local @!p0 [hbm:s0], s1  }
0x74: {  	s0 =	simm.s32 @!p0 $0x2  }
0x75: {  	_ =	swait.ge @!p0 [sflag:s0], s1  }
0x76: {  	s1 =	ssub.s32 @!p0 $0x0, s1;
	[sflag:s0] =	ssyncset.done @!p0 $0x0  }
0x77: {  	[sflag:s0] =	ssyncadd.s32 @!p0 s1  }
0x78: {  	[bflag:$0x3] =	sbarrier.arrive $0xFFFF  }
0x79: {  	_ =	shalt  }

// kernel: kernel.9.cloned.1.call-start
scs
__scs_entry_jumppad:
0x0: {  	(pc) =	sbr.rel $0x88, $3  }
0x1: {  	(tag) =	ssettag $0x0;
	lr =	simm.s32 $0x1  }
0x2: {  	[smem:$0x3F99] =	sst lr;
	_ =	strace $0xD0000000  }
0x3: {  	_ = 	snop  }
0x4: {  	_ = 	snop  }
0x5: {  	_ = 	snop  }
0x6: {  	_ = 	snop  }
0x7: {  	_ = 	snop  }
__scs_overlays_trampoline_lowered:
0x8: {  	[smem:$0x3FA8] =	sst s0  }
0x9: {  	[smem:$0x3FA9] =	sst s1  }
0xa: {  	[smem:$0x3FAA] =	sst s2  }
0xb: {  	[smem:$0x3FAB] =	sst s3  }
0xc: {  	[smem:$0x3FAC] =	sst s4  }
0xd: {  	[smem:$0x3FAD] =	sst s5  }
0xe: {  	[smem:$0x3FAE] =	sst s6  }
0xf: {  	[smem:$0x3FAF] =	sst s7  }
0x10: {  	[smem:$0x3FB0] =	sst s8  }
0x11: {  	[smem:$0x3FB1] =	sst s9;
	s0 =	simm.s32 @!p0 $0x0  }
0x12: {  	s1 =	sld [smem:$0x3F97];
	s0 =	simm.s32 @p0 $0x1  }
0x13: {  	[smem:$0x3FB2] =	sst s0;
	s0 =	simm.s32 @!p1 $0x0  }
0x14: {  	s2 =	sld [smem:$0x3F96];
	s0 =	simm.s32 @p1 $0x1  }
0x15: {  	[smem:$0x3FB3] =	sst s0;
	s0 =	simm.s32 @!p2 $0x0  }
0x16: {  	s3 =	sld [smem:$0x3FDB];
	s0 =	simm.s32 @p2 $0x1  }
0x17: {  	s4 =	simm.s32 $0x1BF5;
	[smem:$0x3FB5] =	sst s0  }
0x18: {  	s0 =	sld [smem:$0x3F98];
	_ =	swait.ge [sflag:s4], $0x0  }
0x19: {  	s7 =	sld [smem:$0x3F99]  }
0x1a: {  	s8 =	sadd.s32 $0xFFFFE003, lr  }
0x1b: {  	s9 =	sadd.s32 $0xFFFFFEF7, lr;
	s5 =	simm.s32 $0xFFFFFFFF;
	p2 =	slt.u32 s8, $0xFFFFF086  }
0x1c: {  	p1 =	slt.u32 s9, $0xF7A;
	s5 =	simm.s32 @!p2 $0x0  }
0x1d: {  	s5 =	simm.s32 @p1 $0x1;
	p0 =	seq.s32 s7, s2  }
0x1e: {  	s7 =	smul.u32 @!p0 $0xF7A, s2;
	p2 =	seq.s32 @!p0 s5, $0x0  }
0x1f: {  	s9 =	smul.u32 $0xF7A, s1;
	s8 =	simm.s32 @!p0 $0x1BF5;
	p2 =	por !p2, p0  }
0x20: {  	[sflag:s8] =	ssyncset.s32 @!p0 $0xFFFFF086;
	s6 =	sadd.s32 @!p0 s3, s7;
	s7 =	simm.s32 @!p0 $0x108  }
0x21: {  	s3 =	sadd.s32 s3, s9;
	s6 =	sadd.s32 @!p0 $0x88, s6;
	s7 =	simm.s32 @p2 $0x1082  }
0x22: {  	[simem:s7], [sflag:s8] =	dma.local @!p0 [hbm:s6], $0xF7A  }
0x23: {  	s9 =	sor.u32 $0xD0000000, s2;
	s6 =	simm.s32 $0x108;
	_ =	swait.ge @!p0 [sflag:s8], $0x0  }
0x24: {  	s3 =	sadd.s32 $0x88, s3;
	s6 =	simm.s32 @!p1 $0x1082;
	[sflag:s4] =	ssyncset.s32 $0xFFFFF086  }
0x25: {  	[simem:s6], [sflag:s4] =	dma.local [hbm:s3], $0xF7A  }
0x26: {  	[smem:$0x3F99] =	sst s1;
	(tag) =	ssettag s2;
	_ =	strace s9  }
0x27: {  	s1 =	sld [smem:$0x3FA9]  }
0x28: {  	s2 =	sld [smem:$0x3FAA]  }
0x29: {  	s4 =	sld [smem:$0x3FAC]  }
0x2a: {  	p0 =	seq.s32 s5, $0x0;
	s5 =	sld [smem:$0x3FAD]  }
0x2b: {  	s6 =	sld [smem:$0x3FAE]  }
0x2c: {  	s7 =	sld [smem:$0x3FAF]  }
0x2d: {  	s3 =	simm.s32 $0x108;
	s8 =	sld [smem:$0x3FB0]  }
0x2e: {  	s3 =	simm.s32 @!p0 $0x1082;
	s9 =	sld [smem:$0x3FB1]  }
0x2f: {  	lr =	sadd.s32 s0, s3;
	s0 =	sld [smem:$0x3FA8]  }
0x30: {  	s3 =	sld [smem:$0x3FAB]  }
0x31: {  	[smem:$0x3FB4] =	sst s10  }
0x32: {  	s10 =	sld [smem:$0x3FB2];
	_ =	sdelay $0x3  }
0x33: {  	p0 =	seq.s32 s10, $0x1;
	s10 =	sld [smem:$0x3FB4];
	_ =	sdelay $0x3  }
0x34: {  	[smem:$0x3FB4] =	sst s10  }
0x35: {  	s10 =	sld [smem:$0x3FB3];
	_ =	sdelay $0x3  }
0x36: {  	p1 =	seq.s32 s10, $0x1;
	s10 =	sld [smem:$0x3FB4];
	_ =	sdelay $0x3  }
0x37: {  	[smem:$0x3FB4] =	sst s10  }
0x38: {  	s10 =	sld [smem:$0x3FB5]  }
0x39: {  	_ = 	snop;
	(pc) =	sbr.ind lr, $3  }
0x3a: {  	_ = 	snop  }
0x3b: {  	_ = 	snop  }
0x3c: {  	p2 =	seq.s32 s10, $0x1;
	s10 =	sld [smem:$0x3FB4]  }
0x3d: {  	_ =	shalt  }
0x3e: {  	_ =	shalt  }
0x3f: {  	_ =	shalt  }
0x40: {  	_ =	shalt  }
0x41: {  	_ =	shalt  }
0x42: {  	_ =	shalt  }
0x43: {  	_ =	shalt  }
0x44: {  	_ =	shalt  }
0x45: {  	_ =	shalt  }
0x46: {  	_ =	shalt  }
0x47: {  	_ =	shalt  }
0x48: {  	_ =	shalt  }
0x49: {  	_ =	shalt  }
0x4a: {  	_ =	shalt  }
0x4b: {  	_ =	shalt  }
0x4c: {  	_ =	shalt  }
0x4d: {  	_ =	shalt  }
0x4e: {  	_ =	shalt  }
0x4f: {  	_ =	shalt  }
0x50: {  	_ =	shalt  }
0x51: {  	_ =	shalt  }
0x52: {  	_ =	shalt  }
0x53: {  	_ =	shalt  }
0x54: {  	_ =	shalt  }
0x55: {  	_ =	shalt  }
0x56: {  	_ =	shalt  }
0x57: {  	_ =	shalt  }
0x58: {  	_ =	shalt  }
0x59: {  	_ =	shalt  }
0x5a: {  	_ =	shalt  }
0x5b: {  	_ =	shalt  }
0x5c: {  	_ =	shalt  }
0x5d: {  	_ =	shalt  }
0x5e: {  	_ =	shalt  }
0x5f: {  	_ =	shalt  }
0x60: {  	_ =	shalt  }
0x61: {  	_ =	shalt  }
0x62: {  	_ =	shalt  }
0x63: {  	_ =	shalt  }
0x64: {  	_ =	shalt  }
0x65: {  	_ =	shalt  }
0x66: {  	_ =	shalt  }
0x67: {  	_ =	shalt  }
0x68: {  	_ =	shalt  }
0x69: {  	_ =	shalt  }
0x6a: {  	_ =	shalt  }
0x6b: {  	_ =	shalt  }
0x6c: {  	_ =	shalt  }
0x6d: {  	_ =	shalt  }
0x6e: {  	_ =	shalt  }
0x6f: {  	_ =	shalt  }
0x70: {  	_ =	shalt  }
0x71: {  	_ =	shalt  }
0x72: {  	_ =	shalt  }
0x73: {  	_ =	shalt  }
0x74: {  	_ =	shalt  }
0x75: {  	_ =	shalt  }
0x76: {  	_ =	shalt  }
0x77: {  	_ =	shalt  }
0x78: {  	_ =	shalt  }
0x79: {  	_ =	shalt  }
0x7a: {  	_ =	shalt  }
0x7b: {  	_ =	shalt  }
0x7c: {  	_ =	shalt  }
0x7d: {  	_ =	shalt  }
0x7e: {  	_ =	shalt  }
0x7f: {  	_ =	shalt  }
0x80: {  	_ =	shalt  }
0x81: {  	_ =	shalt  }
0x82: {  	_ =	shalt  }
0x83: {  	_ =	shalt  }
0x84: {  	_ =	shalt  }
0x85: {  	_ =	shalt  }
0x86: {  	_ =	shalt  }
0x87: {  	_ =	shalt  }
.Lfunc_end0:
.L_simem_size_0:
called_computation.1_lowered:
.L_overlay_start_0:
0x88: {  	s2 =	sld [smem:$0x3FD9]  }
0x89: {  	s3 =	sld [smem:$0x3FFE];
	_ =	sdelay $0x1  }
0x8a: {  	s1 =	srdreg.scid  }
0x8b: {  	s0 =	sand.u32 $0x1, s1  }
0x8c: {  	s17 =	sshll.u32 s0, $0xA;
	s2 =	sadd.s32 s3, s2  }
0x8d: {  	s2 =	sadd.s32 s2, s17  }
0x8e: {  	[smem:$0x3FC0] =	sst s2  }
0x8f: {  	_ = 	snop  }
0x90: {  	s18 =	sld [smem:$0x3FC9]  }
0x91: {  	s4 =	sld [smem:$0x3FC7]  }
0x92: {  	s5 =	sld [smem:$0x3FC6];
	(tm) =	ssettm $0x1  }
0x93: {  	s19 =	sld [smem:$0x3FFB];
	_ =	sdelay $0x3  }
0x94: {  	_ =	strace s19  }
0x95: {  	s2 =	sld [smem:$0x3FFC];
	_ =	sdelay $0x3  }
0x96: {  	_ =	strace s2  }
0x97: {  	s2 =	sld [smem:$0x3FFD];
	_ =	sdelay $0x3  }
0x98: {  	_ =	strace s2  }
0x99: {  	_ =	strace $0x8FFFFFFF  }
0x9a: {  	s20 =	sld [smem:$0x3FDB];
	_ =	sdelay $0x1  }
0x9b: {  	s6 =	simm.s32 $_scs_section_size  }
0x9c: {  	s7 =	simm.s32 $_size__tile_overlayer_lowered;
	s8 =	simm.s32 $_tile_overlayer_lowered  }
0x9d: {  	s9 =	simm.s32 $0x1BFF;
	s21 =	sshll.u32 s8, $0x1;
	s6 =	sadd.s32 s6, s20  }
0x9e: {  	s22 =	simm.s32 $0x0;
	s7 =	sshll.u32 s7, $0x1;
	s8 =	sadd.s32 s21, s6  }
0x9f: {  	[timem:s22], [sflag:s9] =	dma.local [hbm:s8], s7  }
0xa0: {  	_ =	swait.ge [sflag:s9], s7  }
0xa1: {  	s7 =	ssub.s32 $0x0, s7;
	[sflag:s9] =	ssyncset.done $0x0  }
0xa2: {  	[sflag:s9] =	ssyncadd.s32 s7;
	_ =	sdelay $0x1  }
0xa3: {  	s23 =	simm.s32 $0x1B8B  }
0xa4: {  	_ =	swait.ge [sflag:s23], $0x1  }
0xa5: {  	[sflag:s23] =	ssyncset.done $0x0  }
0xa6: {  	[sflag:s23] =	ssyncadd.s32 $0xFFFFFFFF  }
0xa7: {  	s7 =	sld [smem:$0x0]  }
0xa8: {  	s8 =	sand.u32 $0xFFFFFFFE, s1  }
0xa9: {  	p0 =	sne.s32 s1, s8  }
0xaa: {  	s8 =	sshll.u32 @p0 s8, $0xE  }
0xab: {  	s8 =	sadd.s32 @p0 $0x11B8D, s8;
	s9 =	sshll.u32 @p0 s7, $0x11  }
0xac: {  	s8 =	sor.u32 @p0 s9, s8  }
0xad: {  	[sflag:s8] =	ssyncadd.remote.s32 @p0 $0x1;
	_ =	sdelay $0x1  }
0xae: {  	s8 =	simm.s32 @p0 $0x1B8D  }
0xaf: {  	_ =	swait.eq @p0 [sflag:s8], $0x1  }
0xb0: {  	[sflag:s8] =	ssyncadd.s32 @p0 $0xFFFFFFFF  }
0xb1: {  	s9 =	sshll.u32 @!p0 s1, $0xE  }
0xb2: {  	s9 =	sor.u32 @!p0 $0x4000, s9;
	s8 =	simm.s32 @!p0 $0x1B8D  }
0xb3: {  	s7 =	sshll.u32 @!p0 s7, $0x11;
	s9 =	sadd.s32 @!p0 $0x11B8D, s9;
	_ =	swait.eq @!p0 [sflag:s8], $0x1  }
0xb4: {  	s7 =	sor.u32 @!p0 s7, s9;
	[sflag:s8] =	ssyncadd.s32 @!p0 $0xFFFFFFFF  }
0xb5: {  	s25 =	simm.s32 $0x1B8E;
	s24 =	sld [smem:$0x3FFE];
	[sflag:s7] =	ssyncadd.remote.s32 @!p0 $0x1  }
0xb6: {  	s26 =	simm.s32 $execute0_lowered;
	[smem:$0x3FD2] =	sst s25  }
0xb7: {  	s8 =	sshll.u32 s26, $0x1;
	_ =	strace $0x80000049;
	[dreg:$0x1] =	wrdreg $0xFFFFFFFF  }
0xb8: {  	s28 =	simm.s32 $_size_execute0_lowered;
	s6 =	sadd.s32 s6, s8;
	[dreg:$0x0] =	wrdreg $0x0  }
0xb9: {  	s8 =	sshll.u32 s28, $0x1;
	[dreg:$0x2] =	wrdreg s6  }
0xba: {  	[dreg:$0x3] =	wrdreg s8  }
0xbb: {  	[dreg:$0x4] =	wrdreg $0xC0  }
0xbc: {  	_ =	task [dreg:s22], $0x5FFFF  }
0xbd: {  	[dreg:$0x1] =	wrdreg $0xFFFFFFFF  }
0xbe: {  	[dreg:$0x0] =	wrdreg $0x60  }
0xbf: {  	[dreg:$0x2] =	wrdreg s18  }
0xc0: {  	[dreg:$0x3] =	wrdreg s4  }
0xc1: {  	[dreg:$0x4] =	wrdreg s5  }
0xc2: {  	[dreg:$0x5] =	wrdreg s24  }
0xc3: {  	[dreg:$0x6] =	wrdreg $0x0  }
0xc4: {  	[dreg:$0x7] =	wrdreg $0xA  }
0xc5: {  	_ =	task.clear_ibuf [dreg:s22], $0x8FFFF;
	_ =	strace $0x90000049  }
0xc6: {  	s29 =	simm.s32 $0xA;
	_ =	strace $0x8000004B  }
0xc7: {  	_ =	swait.ge [sflag:s29], $0x1  }
0xc8: {  	[sflag:s29] =	ssyncadd.s32 $0xFFFFFFFF  }
0xc9: {  	_ =	strace $0x9000004B  }
0xca: {  	_ =	sfence  }
0xcb: {  	s30 =	sld [smem:$0x0];
	_ =	sdelay $0x2  }
0xcc: {  	s31 =	sshll.u32 s1, $0xD;
	s1 =	sshrl.u32 s1, $0x2  }
0xcd: {  	s4 =	sand.u32 $0x4000, s31;
	s1 =	sadd.s32 s1, s30  }
0xce: {  	s0 =	sor.u32 s4, s0;
	s1 =	sshll.u32 s1, $0x11  }
0xcf: {  	s0 =	sor.u32 s1, s0  }
0xd0: {  	s0 =	sadd.s32 $0x8F2B, s0  }
0xd1: {  	[sflag:s0] =	ssyncadd.remote.s32 $0x1  }
0xd2: {  	_ =	sfence.sel $0xFFFF  }
0xd3: {  	[dreg:$0x0] =	wrdreg $0xFFFFFFFF;
	(pc) =	sbr.abs _section_cstart, $3  }
0xd4: {  	[dreg:$0x1] =	wrdreg $0xFFFFFFFF  }
0xd5: {  	_ =	task.clear_ibuf [dreg:s22], $0x2FFFF;
	_ =	strace $0x9FFFFFFF  }
0xd6: {  	(tm) =	ssettm $0x7FFFFFFF  }
0xd7: {  	_ =	shalt  }
tec
execute0_lowered:
.L_overlay_start_1:
0x0: {  	(tag) =	ssettag $0x1  }
0x1: {  	s0 =	srdreg.scid;
	s7 =	stileid.u32  }
0x2: {  	s0 =	sand.u32 $0x1, s0;
	s1 =	sshll.u32 s7, $0x1  }
0x3: {  	s8 =	sor.u32 s0, s1  }
0x4: {  	s0 =	ssub.s32 $0x2, s0;
	s6 =	smul.u32 $0x320, s8  }
0x5: {  	s5 =	rddreg [dreg:$0x3];
	s29 =	sshrl.u32 s0, $0x1  }
0x6: {  	s4 =	rddreg [dreg:$0x0];
	s10 =	sadd.s32 s6, s5;
	s5 =	ssub.s32 s0, s29  }
0x7: {  	s2 =	rddreg [dreg:$0x1];
	s31 =	smax.u32 s5, $0x1  }
0x8: {  	s3 =	rddreg [dreg:$0x2];
	s18 =	sadd.s32 $0xFFFFFFFF, s31  }
0x9: {  	s28 =	simm.s32 $0x0;
	s9 =	smul.u32 $0x1900, s8;
	p3 =	sne.s32 s18, $0x0  }
.Ltmp0:
0xa: {  	p2 =	por $0x0, $0x0;
	[smem:$0x7FF] =	sst s28;
	(pc) =	sbr.rel @!p3 .LBB2_3-.Ltmp0, $4  }
0xb: {  	p0 =	sne.s32 s7, $0x0;
	s1 =	rddreg [dreg:$0x4];
	s30 =	sshrl.u32 s9, $0x3  }
0xc: {  	s7 =	sshrl.u32 @!p0 s1, $0x3;
	p1 =	sgt.u32 s8, $0x18;
	s9 =	sadd.s32 $0x4E20, s30  }
0xd: {  	s0 =	rddreg [dreg:$0x5];
	_ =	strace $0x8000004A;
	s6 =	sadd.s32 s2, s9  }
0xe: {  	s5 =	sadd.s32 s3, s9;
	s3 =	sadd.s32 $0x7000, s10;
	s2 =	sadd.s32 $0xC000, s10  }
0xf: {  	s9 =	simm.s32 @!p0 $0x1C02;
	s10 =	simm.s32 @!p0 $0x2  }
0x10: {  	[spmem:s7], [sflag:s9] =	dma.local @!p0 [hbm:s4], $0x4F0  }
0x11: {  	_ =	swait.ge @!p0 [sflag:s10], $0x4F0  }
0x12: {  	[sflag:s10] =	ssyncset.done @!p0 $0x0  }
0x13: {  	s8 =	simm.s32 @!p1 $0x2;
	[sflag:s10] =	ssyncadd.s32 @!p0 $0xFFFFFB10  }
0x14: {  	s11 =	simm.s32 @!p1 $0x0;
	s12 =	simm.s32 @!p1 $0x278;
	[bflag:$0x0] =	sbarrier.arrive $0xFFFF  }
0x15: {  	[tilespmem:s12], [sflag:$0x2] =	stream.linear.gather @!p1 [hbm4b:s6+s11], $0x1900, $0x38;
	[tilespmem:$0x6678] =	vst v63  }
0x16: {  	_ =	swait.ge @!p1 [sflag:s8], $0x1900  }
0x17: {  	[sflag:s8] =	ssyncset.done @!p1 $0x0  }
0x18: {  	s13 =	simm.s32 @!p1 $0x1B78;
	[sflag:s8] =	ssyncadd.s32 @!p1 $0xFFFFE700  }
0x19: {  	[tilespmem:s13], [sflag:$0x2] =	stream.linear.gather @!p1 [hbm4b:s5+s11], $0x1900, $0x38;
	[tilespmem:$0x6678] =	vst v63  }
0x1a: {  	_ =	swait.ge @!p1 [sflag:s8], $0x1900  }
0x1b: {  	[sflag:s8] =	ssyncset.done @!p1 $0x0  }
0x1c: {  	s14 =	simm.s32 @!p1 $0x1900;
	s15 =	simm.s32 @!p1 $0x3478;
	[sflag:s8] =	ssyncadd.s32 @!p1 $0xFFFFE700  }
0x1d: {  	[tilespmem:s15], [sflag:$0x1] =	stream.indirect.gather @!p1 [spmem:s1], $0x1, s12, s14, $0xb8;
	[tilespmem:$0x6678] =	vst v63  }
0x1e: {  	s16 =	simm.s32 @!p1 $0x4D78;
	s17 =	simm.s32 @!p1 $0x1  }
0x1f: {  	[tilespmem:s16], [sflag:$0x1] =	stream.indirect.gather @!p1 [spmem:s1], $0x1, s13, s14, $0xb8;
	[tilespmem:$0x6678] =	vst v63  }
0x20: {  	_ =	swait.ge @!p1 [sflag:s17], $0x1900  }
0x21: {  	[sflag:s17] =	ssyncset.done @!p1 $0x0  }
0x22: {  	[sflag:s17] =	ssyncadd.s32 @!p1 $0xFFFFE700  }
0x23: {  	_ =	swait.ge @!p1 [sflag:s17], $0x1900  }
0x24: {  	[sflag:s17] =	ssyncset.done @!p1 $0x0  }
0x25: {  	s18 =	sadd.s32 $0xFFFFFFFF, s18;
	[sflag:s17] =	ssyncadd.s32 @!p1 $0xFFFFE700  }
0x26: {  	[hbm4b:s3+s11] =	stream.linear.scatter @!p1 [tilespmem:s15], [sflag:$0x2], $0x1900, $0x38;
	[tilespmem:$0x6678] =	vst v63  }
0x27: {  	p3 =	sne.s32 s18, $0x0;
	_ =	swait.ge @!p1 [sflag:s8], $0x1900  }
.Ltmp1:
0x28: {  	[sflag:s8] =	ssyncset.done @!p1 $0x0;
	(pc) =	sbr.rel @!p3 .LBB2_3-.Ltmp1, $4  }
0x29: {  	[sflag:s8] =	ssyncadd.s32 @!p1 $0xFFFFE700  }
0x2a: {  	[hbm4b:s2+s11] =	stream.linear.scatter @!p1 [tilespmem:s16], [sflag:$0x2], $0x1900, $0x38;
	[tilespmem:$0x6678] =	vst v63  }
0x2b: {  	_ =	swait.ge @!p1 [sflag:s8], $0x1900  }
0x2c: {  	p2 =	por $0x1, $0x1;
	[sflag:s8] =	ssyncset.done @!p1 $0x0  }
.LBB2_2:
0x2d: {  	[sflag:s8] =	ssyncadd.s32 @!p1 $0xFFFFE700  }
0x2e: {  	[spmem:s7], [sflag:s9] =	dma.local @!p0 [hbm:s4], $0x4F0  }
0x2f: {  	s18 =	sadd.s32 $0xFFFFFFFF, s18;
	_ =	swait.ge @!p0 [sflag:s10], $0x4F0  }
0x30: {  	p3 =	sne.s32 s18, $0x0;
	[sflag:s10] =	ssyncset.done @!p0 $0x0  }
0x31: {  	[sflag:s10] =	ssyncadd.s32 @!p0 $0xFFFFFB10  }
0x32: {  	[bflag:$0x0] =	sbarrier.arrive $0xFFFF  }
0x33: {  	[tilespmem:s12], [sflag:$0x2] =	stream.linear.gather @!p1 [hbm4b:s6+s11], $0x1900, $0x38;
	[tilespmem:$0x6678] =	vst v63  }
0x34: {  	_ =	swait.ge @!p1 [sflag:s8], $0x1900  }
0x35: {  	[sflag:s8] =	ssyncset.done @!p1 $0x0  }
0x36: {  	[sflag:s8] =	ssyncadd.s32 @!p1 $0xFFFFE700  }
0x37: {  	[tilespmem:s13], [sflag:$0x2] =	stream.linear.gather @!p1 [hbm4b:s5+s11], $0x1900, $0x38;
	[tilespmem:$0x6678] =	vst v63  }
0x38: {  	_ =	swait.ge @!p1 [sflag:s8], $0x1900  }
0x39: {  	[sflag:s8] =	ssyncset.done @!p1 $0x0  }
0x3a: {  	[sflag:s8] =	ssyncadd.s32 @!p1 $0xFFFFE700  }
0x3b: {  	[tilespmem:s15], [sflag:$0x1] =	stream.indirect.gather @!p1 [spmem:s1], $0x1, s12, s14, $0xb8;
	[tilespmem:$0x6678] =	vst v63  }
0x3c: {  	_ = 	snop  }
0x3d: {  	[tilespmem:s16], [sflag:$0x1] =	stream.indirect.gather @!p1 [spmem:s1], $0x1, s13, s14, $0xb8;
	[tilespmem:$0x6678] =	vst v63  }
0x3e: {  	_ =	swait.ge @!p1 [sflag:s17], $0x1900  }
0x3f: {  	[sflag:s17] =	ssyncset.done @!p1 $0x0  }
0x40: {  	[sflag:s17] =	ssyncadd.s32 @!p1 $0xFFFFE700  }
0x41: {  	_ =	swait.ge @!p1 [sflag:s17], $0x1900  }
0x42: {  	[sflag:s17] =	ssyncset.done @!p1 $0x0  }
0x43: {  	[sflag:s17] =	ssyncadd.s32 @!p1 $0xFFFFE700  }
0x44: {  	[hbm4b:s3+s11] =	stream.linear.scatter @!p1 [tilespmem:s15], [sflag:$0x2], $0x1900, $0x38;
	[tilespmem:$0x6678] =	vst v63  }
0x45: {  	_ =	swait.ge @!p1 [sflag:s8], $0x1900  }
.Ltmp2:
0x46: {  	[sflag:s8] =	ssyncset.done @!p1 $0x0;
	(pc) =	sbr.rel @p3 .LBB2_2-.Ltmp2, $4  }
0x47: {  	[sflag:s8] =	ssyncadd.s32 @!p1 $0xFFFFE700  }
0x48: {  	[hbm4b:s2+s11] =	stream.linear.scatter @!p1 [tilespmem:s16], [sflag:$0x2], $0x1900, $0x38;
	[tilespmem:$0x6678] =	vst v63  }
0x49: {  	_ =	swait.ge @!p1 [sflag:s8], $0x1900  }
0x4a: {  	[sflag:s8] =	ssyncset.done @!p1 $0x0  }
.LBB2_3:
0x4b: {  	p2 =	por p1, !p2  }
0x4c: {  	s9 =	simm.s32 @!p0 $0x1C02;
	s10 =	simm.s32 @!p0 $0x2;
	[sflag:s8] =	ssyncadd.s32 @!p2 $0xFFFFE700  }
0x4d: {  	[spmem:s7], [sflag:s9] =	dma.local @!p0 [hbm:s4], $0x4F0  }
0x4e: {  	_ =	swait.ge @!p0 [sflag:s10], $0x4F0  }
0x4f: {  	[sflag:s10] =	ssyncset.done @!p0 $0x0  }
0x50: {  	s8 =	simm.s32 @!p1 $0x278;
	[sflag:s10] =	ssyncadd.s32 @!p0 $0xFFFFFB10  }
0x51: {  	s4 =	simm.s32 @!p1 $0x2;
	s7 =	simm.s32 @!p1 $0x0;
	[bflag:$0x0] =	sbarrier.arrive $0xFFFF  }
0x52: {  	[tilespmem:s8], [sflag:$0x2] =	stream.linear.gather @!p1 [hbm4b:s6+s7], $0x1900, $0x38;
	[tilespmem:$0x6678] =	vst v63  }
0x53: {  	_ =	swait.ge @!p1 [sflag:s4], $0x1900  }
0x54: {  	[sflag:s4] =	ssyncset.done @!p1 $0x0  }
0x55: {  	s6 =	simm.s32 @!p1 $0x1B78;
	[sflag:s4] =	ssyncadd.s32 @!p1 $0xFFFFE700  }
0x56: {  	[tilespmem:s6], [sflag:$0x2] =	stream.linear.gather @!p1 [hbm4b:s5+s7], $0x1900, $0x38;
	[tilespmem:$0x6678] =	vst v63  }
0x57: {  	_ =	swait.ge @!p1 [sflag:s4], $0x1900  }
0x58: {  	[sflag:s4] =	ssyncset.done @!p1 $0x0  }
0x59: {  	s9 =	simm.s32 @!p1 $0x3478;
	s5 =	simm.s32 @!p1 $0x1900;
	[sflag:s4] =	ssyncadd.s32 @!p1 $0xFFFFE700  }
0x5a: {  	[tilespmem:s9], [sflag:$0x1] =	stream.indirect.gather @!p1 [spmem:s1], $0x1, s8, s5, $0xb8;
	[tilespmem:$0x6678] =	vst v63  }
0x5b: {  	s10 =	simm.s32 @!p1 $0x1;
	s8 =	simm.s32 @!p1 $0x4D78  }
0x5c: {  	[tilespmem:s8], [sflag:$0x1] =	stream.indirect.gather @!p1 [spmem:s1], $0x1, s6, s5, $0xb8;
	[tilespmem:$0x6678] =	vst v63  }
0x5d: {  	_ =	swait.ge @!p1 [sflag:s10], $0x1900  }
0x5e: {  	[sflag:s10] =	ssyncset.done @!p1 $0x0  }
0x5f: {  	[sflag:s10] =	ssyncadd.s32 @!p1 $0xFFFFE700  }
0x60: {  	_ =	swait.ge @!p1 [sflag:s10], $0x1900  }
0x61: {  	[sflag:s10] =	ssyncset.done @!p1 $0x0  }
0x62: {  	[sflag:s10] =	ssyncadd.s32 @!p1 $0xFFFFE700  }
0x63: {  	[hbm4b:s3+s7] =	stream.linear.scatter @!p1 [tilespmem:s9], [sflag:$0x2], $0x1900, $0x38;
	[tilespmem:$0x6678] =	vst v63  }
0x64: {  	_ =	swait.ge @!p1 [sflag:s4], $0x1900  }
0x65: {  	[sflag:s4] =	ssyncset.done @!p1 $0x0  }
0x66: {  	[sflag:s4] =	ssyncadd.s32 @!p1 $0xFFFFE700  }
0x67: {  	[hbm4b:s2+s7] =	stream.linear.scatter @!p1 [tilespmem:s8], [sflag:$0x2], $0x1900, $0x38;
	[tilespmem:$0x6678] =	vst v63  }
0x68: {  	_ =	swait.ge @!p1 [sflag:s4], $0x1900  }
0x69: {  	[sflag:s4] =	ssyncset.done @!p1 $0x0  }
0x6a: {  	[sflag:s4] =	ssyncadd.s32 @!p1 $0xFFFFE700  }
0x6b: {  	_ =	sfence.sel $0x180000  }
0x6c: {  	[bflag:$0x0] =	sbarrier.arrive $0xFFFF  }
0x6d: {  	_ =	strace $0x9000004A  }
0x6e: {  	s0 =	sadd.s32 @!p0 $0x100000, s0;
	[bflag:$0x2] =	sbarrier.arrive $0xFFFF  }
0x6f: {  	[sflag:s0] =	ssyncadd.tile.s32 @!p0 $0x1;
	_ =	shalt  }
.Lfunc_end2:
_tile_overlayer_lowered:
.L_overlay_start_2:
0x70: {  	(tag) =	ssettag $0x2  }
0x71: {  	s0 =	rddreg [dreg:$0x0];
	s2 =	stileid.u32  }
0x72: {  	s1 =	rddreg [dreg:$0x1];
	p0 =	sne.s32 s2, $0x0  }
0x73: {  	s3 =	rddreg [dreg:$0x2];
	[bflag:$0x3] =	sbarrier.arrive $0xFFFF;
	s2 =	simm.s32 @!p0 $0x1C02  }
0x74: {  	[timem:s3], [sflag:s2] =	dma.local @!p0 [hbm:s0], s1  }
0x75: {  	s0 =	simm.s32 @!p0 $0x2  }
0x76: {  	_ =	swait.ge @!p0 [sflag:s0], s1  }
0x77: {  	s1 =	ssub.s32 @!p0 $0x0, s1;
	[sflag:s0] =	ssyncset.done @!p0 $0x0  }
0x78: {  	[sflag:s0] =	ssyncadd.s32 @!p0 s1  }
0x79: {  	[bflag:$0x3] =	sbarrier.arrive $0xFFFF  }
0x7a: {  	_ =	shalt  }

</sc_bundles>
